<compile_context>
chip_gen: v7x
topology: tpu7x:2x2x1
jax: 0.10.2.dev20260603
libtpu: 0.0.44.dev20260713+nightly
codegen_flags: <defaults>
</compile_context>

<pallas_src>
import functools
import math

import jax
import jax.numpy as jnp
from jax import lax
from jax.experimental import pallas as pl
from jax.experimental.pallas import tpu as pltpu
from jax.experimental.pallas import tpu_sc as plsc

_TK = 4
_B = 64
_N = 512
_C = 256
_NB = 16
_ROWS = _N * _B
_NW = 32
_RPT = _ROWS // _NW
_GRP = _RPT // 16



def _sim_body(x_ref, s_ref):
    xt = jnp.transpose(x_ref[...], (1, 0, 2))
    s_ref[...] = lax.dot_general(
        xt, xt, (((2,), (2,)), ((0,), (0,))),
        preferred_element_type=jnp.float32)



_GQ = 4


def _sc_topk_body(s_hbm, o_hbm, sbuf, obuf):
    c = lax.axis_index("c")
    s = lax.axis_index("s")
    wid = s * 2 + c
    base = wid * _RPT
    lanes = lax.broadcasted_iota(jnp.int32, (16,), 0)
    gofs = [lanes * _B + q * 16 * _B for q in range(_GQ)]
    slot = [[lanes * 8 + q * 16 * 8 + k for k in range(8)] for q in range(_GQ)]
    neg = jnp.full((16,), -3.0e38, jnp.float32)
    zero = jnp.zeros((16,), jnp.float32)

    def block_body(g, _carry):
        r0 = base + g * (16 * _GQ)
        pltpu.sync_copy(s_hbm.at[pl.ds(r0 * _B, 16 * _GQ * _B)], sbuf)

        def col1(i, ms):
            fi = jnp.broadcast_to(i, (16,)).astype(jnp.float32)
            out = []
            for q in range(_GQ):
                m0, m1, m2, m3, m4, i0, i1, i2, i3, i4 = ms[q]
                cv = plsc.load_gather(sbuf, [gofs[q] + i])
                b0 = cv > m0
                b1 = cv > m1
                b2 = cv > m2
                b3 = cv > m3
                b4 = cv > m4
                n0 = jnp.where(b0, cv, m0)
                n1 = jnp.where(b0, m0, jnp.where(b1, cv, m1))
                n2 = jnp.where(b1, m1, jnp.where(b2, cv, m2))
                n3 = jnp.where(b2, m2, jnp.where(b3, cv, m3))
                n4 = jnp.where(b3, m3, jnp.where(b4, cv, m4))
                j0 = jnp.where(b0, fi, i0)
                j1 = jnp.where(b0, i0, jnp.where(b1, fi, i1))
                j2 = jnp.where(b1, i1, jnp.where(b2, fi, i2))
                j3 = jnp.where(b2, i2, jnp.where(b3, fi, i3))
                j4 = jnp.where(b3, i3, jnp.where(b4, fi, i4))
                out.append((n0, n1, n2, n3, n4, j0, j1, j2, j3, j4))
            return tuple(out)

        init = tuple(
            (neg, neg, neg, neg, neg, zero, zero, zero, zero, zero)
            for _ in range(_GQ))
        ms = lax.fori_loop(0, _B, col1, init)

        for q in range(_GQ):
            _m0, m1, m2, m3, m4, _i0, i1, i2, i3, i4 = ms[q]
            e2 = jnp.exp(m2 - m1)
            e3 = jnp.exp(m3 - m1)
            e4 = jnp.exp(m4 - m1)
            inv = 1.0 / (1.0 + e2 + e3 + e4)
            plsc.store_scatter(obuf, [slot[q][0]], inv)
            plsc.store_scatter(obuf, [slot[q][1]], e2 * inv)
            plsc.store_scatter(obuf, [slot[q][2]], e3 * inv)
            plsc.store_scatter(obuf, [slot[q][3]], e4 * inv)
            plsc.store_scatter(obuf, [slot[q][4]], i1)
            plsc.store_scatter(obuf, [slot[q][5]], i2)
            plsc.store_scatter(obuf, [slot[q][6]], i3)
            plsc.store_scatter(obuf, [slot[q][7]], i4)
        pltpu.sync_copy(obuf, o_hbm.at[pl.ds(r0 * 8, 16 * _GQ * 8)])
        return _carry

    lax.fori_loop(0, _GRP // _GQ, block_body, 0)


@functools.cache
def _sc_topk_built():
    return functools.partial(
        pl.kernel,
        out_type=jax.ShapeDtypeStruct((_ROWS * 8,), jnp.float32),
        mesh=plsc.VectorSubcoreMesh(core_axis_name="c", subcore_axis_name="s"),
        compiler_params=pltpu.CompilerParams(needs_layout_passes=False),
        scratch_types=[
            pltpu.VMEM((16 * _GQ * _B,), jnp.float32),
            pltpu.VMEM((16 * _GQ * 8,), jnp.float32),
        ],
    )(_sc_topk_body)


def _sc_topk(s_rows):
    return _sc_topk_built()(s_rows.reshape(-1)).reshape(_ROWS, 8)



def _apply_body(x_ref, wi_ref, ws_ref, b_ref, g_ref, be_ref, o_ref):
    xt = jnp.transpose(x_ref[...], (1, 0, 2))
    Nb, B, C = xt.shape
    wi = wi_ref[...]
    w4 = wi[:, 0:4].reshape(Nb, B, _TK)
    if4 = wi[:, 4:8].reshape(Nb, B, _TK).astype(jnp.int32)
    iota = lax.broadcasted_iota(jnp.int32, (Nb, B, B), 2)
    blocks = [
        (iota == if4[..., j:j + 1]).astype(jnp.float32) * w4[..., j:j + 1]
        for j in range(_TK)
    ]
    Mcat = jnp.concatenate(blocks, axis=-1)

    xflat = xt.reshape(Nb * B, C)
    zs = [
        jnp.dot(xflat, ws_ref[j], preferred_element_type=jnp.float32)
        .reshape(Nb, B, C)
        for j in range(_TK)
    ]
    zcat = jnp.concatenate(zs, axis=1)

    y = lax.dot_general(
        Mcat, zcat, (((2,), (1,)), ((0,), (0,))),
        preferred_element_type=jnp.float32)
    y = y + b_ref[...]
    mu = jnp.mean(y, axis=-1, keepdims=True)
    yc = y - mu
    var = jnp.mean(yc * yc, axis=-1, keepdims=True)
    y = yc * lax.rsqrt(var + 1e-5) * g_ref[...] + be_ref[...]
    y = 0.5 * y * (1.0 + lax.erf(y * jnp.float32(1.0 / math.sqrt(2.0))))
    o_ref[...] = jnp.transpose(y, (1, 0, 2))


@jax.jit
def kernel(x, W, b, gamma, beta):
    B, N, C = x.shape
    wstack = jnp.transpose(W.reshape(C, _TK, C), (1, 2, 0))
    b2 = b.reshape(1, C)
    g2 = gamma.reshape(1, C)
    be2 = beta.reshape(1, C)
    grid = (N // _NB,)

    S = pl.pallas_call(
        _sim_body,
        grid=grid,
        in_specs=[pl.BlockSpec((B, _NB, C), lambda i: (0, i, 0))],
        out_specs=pl.BlockSpec((_NB, B, B), lambda i: (i, 0, 0)),
        out_shape=jax.ShapeDtypeStruct((N, B, B), jnp.float32),
    )(x)

    WI = _sc_topk(S.reshape(_ROWS, B))

    out = pl.pallas_call(
        _apply_body,
        grid=grid,
        in_specs=[
            pl.BlockSpec((B, _NB, C), lambda i: (0, i, 0)),
            pl.BlockSpec((_NB * B, 8), lambda i: (i, 0)),
            pl.BlockSpec((_TK, C, C), lambda i: (0, 0, 0)),
            pl.BlockSpec((1, C), lambda i: (0, 0)),
            pl.BlockSpec((1, C), lambda i: (0, 0)),
            pl.BlockSpec((1, C), lambda i: (0, 0)),
        ],
        out_specs=pl.BlockSpec((B, _NB, C), lambda i: (0, i, 0)),
        out_shape=jax.ShapeDtypeStruct((B, N, C), jnp.float32),
    )(x, WI, wstack, b2, g2, be2)
    return out

# --- scband reference (transcript-rebuilt; emitter-appended) ---
"""Pipeline reference for scband-batch-cos-graph-conv-63462436765827 (READ-ONLY COPY).

The authoritative reference and input builder live on the scoring server;
editing this copy changes nothing except your own understanding.
"""

import jax, jax.numpy as jnp
import numpy as np

TOPK = 4

def setup_inputs(seed: int = 0) -> dict:
    key = jax.random.key(seed)
    k1, k2, k3 = jax.random.split(key, 3)
    B, N, C = 64, 512, 256
    x = jax.random.normal(k1, (B, N, C), dtype=jnp.float32)
    W = jax.random.normal(k2, (C, C * TOPK), dtype=jnp.float32) * 0.02
    b = jnp.zeros((C,), dtype=jnp.float32)
    gamma = jnp.ones((C,), dtype=jnp.float32)
    beta = jnp.zeros((C,), dtype=jnp.float32)
    return {"x": x, "W": W, "b": b, "gamma": gamma, "beta": beta}

def reference(x, W, b, gamma, beta):
    B, N, C = x.shape
    xt = jnp.transpose(x, (1, 0, 2))  # [N, B, C]
    cos_sim = jnp.einsum('nbc,nkc->nbk', xt, xt)  # bmm(x, x^T): [N, B, B]
    topk_weight, topk_index = jax.lax.top_k(cos_sim, TOPK + 1)
    topk_weight = topk_weight[:, :, 1:]
    topk_index = topk_index[:, :, 1:]
    # gather: selected[n, b, j, :] = xt[n, topk_index[n, b, j], :]
    selected = xt[jnp.arange(N)[:, None, None], topk_index, :]  # [N, B, k, C]
    w = jax.nn.softmax(topk_weight, axis=2)
    y = w[..., None] * selected  # [N, B, k, C]
    y = y.reshape(N, B, TOPK * C)
    y = y @ W.T + b  # Linear(k*C -> C)
    mu = jnp.mean(y, axis=-1, keepdims=True)
    var = jnp.var(y, axis=-1, keepdims=True)
    y = (y - mu) / jnp.sqrt(var + 1e-5) * gamma + beta  # LayerNorm
    y = jax.nn.gelu(y, approximate=False)  # exact GELU like torch nn.GELU
    return jnp.transpose(y, (1, 0, 2))  # [B, N, C]

if __name__ == "__main__":
    import jax
    _d = setup_inputs()
    print(jax.jit(kernel)(*tuple(_d.values())))

</pallas_src>

<mosaic_0001>
#map = affine_map<(d0, d1) -> (0)>
module attributes {stable_mosaic.version = 14 : i64} {
  func.func @_sc_topk_body(%arg0: i32, %arg1: i32, %arg2: memref<2097152xf32, #tpu.memory_space<hbm>>, %arg3: memref<262144xf32, #tpu.memory_space<hbm>>, %arg4: memref<4096xf32, #tpu.memory_space<vmem>>, %arg5: memref<512xf32, #tpu.memory_space<vmem>>) attributes {dimension_semantics = [#tpu.dimension_semantics<core_parallel>, #tpu.dimension_semantics<subcore_parallel>], iteration_bounds = array<i64: 2, 16>, scalar_prefetch = 0 : i64, scratch_operands = 2 : i64, tpu.core_type = #tpu.core_type<sc_vector_subcore>, window_params = [{transform_indices = #map}, {transform_indices = #map}]} {
    %mul3A = arith.constant 2 : i32
    %mul3A_0 = arith.muli %arg1, %mul3A : i32
    %add3A = arith.addi %mul3A_0, %arg0 : i32
    %mul3A_1 = arith.constant 1024 : i32
    %mul3A_2 = arith.muli %add3A, %mul3A_1 : i32
    %iota3A = tpu.iota {dimensions = array<i32: 0>} : vector<16xi32>
    %mul3A_3 = arith.constant 64 : i32
    %mul3A_4 = vector.broadcast %mul3A_3 : i32 to vector<16xi32>
    %mul3A_5 = arith.muli %iota3A, %mul3A_4 : vector<16xi32>
    %add3A_6 = arith.constant 0 : i32
    %add3A_7 = vector.broadcast %add3A_6 : i32 to vector<16xi32>
    %add3A_8 = arith.addi %mul3A_5, %add3A_7 : vector<16xi32>
    %mul3A_9 = arith.constant 64 : i32
    %mul3A_10 = vector.broadcast %mul3A_9 : i32 to vector<16xi32>
    %mul3A_11 = arith.muli %iota3A, %mul3A_10 : vector<16xi32>
    %add3A_12 = arith.constant 1024 : i32
    %add3A_13 = vector.broadcast %add3A_12 : i32 to vector<16xi32>
    %add3A_14 = arith.addi %mul3A_11, %add3A_13 : vector<16xi32>
    %mul3A_15 = arith.constant 64 : i32
    %mul3A_16 = vector.broadcast %mul3A_15 : i32 to vector<16xi32>
    %mul3A_17 = arith.muli %iota3A, %mul3A_16 : vector<16xi32>
    %add3A_18 = arith.constant 2048 : i32
    %add3A_19 = vector.broadcast %add3A_18 : i32 to vector<16xi32>
    %add3A_20 = arith.addi %mul3A_17, %add3A_19 : vector<16xi32>
    %mul3A_21 = arith.constant 64 : i32
    %mul3A_22 = vector.broadcast %mul3A_21 : i32 to vector<16xi32>
    %mul3A_23 = arith.muli %iota3A, %mul3A_22 : vector<16xi32>
    %add3A_24 = arith.constant 3072 : i32
    %add3A_25 = vector.broadcast %add3A_24 : i32 to vector<16xi32>
    %add3A_26 = arith.addi %mul3A_23, %add3A_25 : vector<16xi32>
    %mul3A_27 = arith.constant 8 : i32
    %mul3A_28 = vector.broadcast %mul3A_27 : i32 to vector<16xi32>
    %mul3A_29 = arith.muli %iota3A, %mul3A_28 : vector<16xi32>
    %add3A_30 = arith.constant 0 : i32
    %add3A_31 = vector.broadcast %add3A_30 : i32 to vector<16xi32>
    %add3A_32 = arith.addi %mul3A_29, %add3A_31 : vector<16xi32>
    %add3A_33 = arith.constant 0 : i32
    %add3A_34 = vector.broadcast %add3A_33 : i32 to vector<16xi32>
    %add3A_35 = arith.addi %add3A_32, %add3A_34 : vector<16xi32>
    %mul3A_36 = arith.constant 8 : i32
    %mul3A_37 = vector.broadcast %mul3A_36 : i32 to vector<16xi32>
    %mul3A_38 = arith.muli %iota3A, %mul3A_37 : vector<16xi32>
    %add3A_39 = arith.constant 0 : i32
    %add3A_40 = vector.broadcast %add3A_39 : i32 to vector<16xi32>
    %add3A_41 = arith.addi %mul3A_38, %add3A_40 : vector<16xi32>
    %add3A_42 = arith.constant 1 : i32
    %add3A_43 = vector.broadcast %add3A_42 : i32 to vector<16xi32>
    %add3A_44 = arith.addi %add3A_41, %add3A_43 : vector<16xi32>
    %mul3A_45 = arith.constant 8 : i32
    %mul3A_46 = vector.broadcast %mul3A_45 : i32 to vector<16xi32>
    %mul3A_47 = arith.muli %iota3A, %mul3A_46 : vector<16xi32>
    %add3A_48 = arith.constant 0 : i32
    %add3A_49 = vector.broadcast %add3A_48 : i32 to vector<16xi32>
    %add3A_50 = arith.addi %mul3A_47, %add3A_49 : vector<16xi32>
    %add3A_51 = arith.constant 2 : i32
    %add3A_52 = vector.broadcast %add3A_51 : i32 to vector<16xi32>
    %add3A_53 = arith.addi %add3A_50, %add3A_52 : vector<16xi32>
    %mul3A_54 = arith.constant 8 : i32
    %mul3A_55 = vector.broadcast %mul3A_54 : i32 to vector<16xi32>
    %mul3A_56 = arith.muli %iota3A, %mul3A_55 : vector<16xi32>
    %add3A_57 = arith.constant 0 : i32
    %add3A_58 = vector.broadcast %add3A_57 : i32 to vector<16xi32>
    %add3A_59 = arith.addi %mul3A_56, %add3A_58 : vector<16xi32>
    %add3A_60 = arith.constant 3 : i32
    %add3A_61 = vector.broadcast %add3A_60 : i32 to vector<16xi32>
    %add3A_62 = arith.addi %add3A_59, %add3A_61 : vector<16xi32>
    %mul3A_63 = arith.constant 8 : i32
    %mul3A_64 = vector.broadcast %mul3A_63 : i32 to vector<16xi32>
    %mul3A_65 = arith.muli %iota3A, %mul3A_64 : vector<16xi32>
    %add3A_66 = arith.constant 0 : i32
    %add3A_67 = vector.broadcast %add3A_66 : i32 to vector<16xi32>
    %add3A_68 = arith.addi %mul3A_65, %add3A_67 : vector<16xi32>
    %add3A_69 = arith.constant 4 : i32
    %add3A_70 = vector.broadcast %add3A_69 : i32 to vector<16xi32>
    %add3A_71 = arith.addi %add3A_68, %add3A_70 : vector<16xi32>
    %mul3A_72 = arith.constant 8 : i32
    %mul3A_73 = vector.broadcast %mul3A_72 : i32 to vector<16xi32>
    %mul3A_74 = arith.muli %iota3A, %mul3A_73 : vector<16xi32>
    %add3A_75 = arith.constant 0 : i32
    %add3A_76 = vector.broadcast %add3A_75 : i32 to vector<16xi32>
    %add3A_77 = arith.addi %mul3A_74, %add3A_76 : vector<16xi32>
    %add3A_78 = arith.constant 5 : i32
    %add3A_79 = vector.broadcast %add3A_78 : i32 to vector<16xi32>
    %add3A_80 = arith.addi %add3A_77, %add3A_79 : vector<16xi32>
    %mul3A_81 = arith.constant 8 : i32
    %mul3A_82 = vector.broadcast %mul3A_81 : i32 to vector<16xi32>
    %mul3A_83 = arith.muli %iota3A, %mul3A_82 : vector<16xi32>
    %add3A_84 = arith.constant 0 : i32
    %add3A_85 = vector.broadcast %add3A_84 : i32 to vector<16xi32>
    %add3A_86 = arith.addi %mul3A_83, %add3A_85 : vector<16xi32>
    %add3A_87 = arith.constant 6 : i32
    %add3A_88 = vector.broadcast %add3A_87 : i32 to vector<16xi32>
    %add3A_89 = arith.addi %add3A_86, %add3A_88 : vector<16xi32>
    %mul3A_90 = arith.constant 8 : i32
    %mul3A_91 = vector.broadcast %mul3A_90 : i32 to vector<16xi32>
    %mul3A_92 = arith.muli %iota3A, %mul3A_91 : vector<16xi32>
    %add3A_93 = arith.constant 0 : i32
    %add3A_94 = vector.broadcast %add3A_93 : i32 to vector<16xi32>
    %add3A_95 = arith.addi %mul3A_92, %add3A_94 : vector<16xi32>
    %add3A_96 = arith.constant 7 : i32
    %add3A_97 = vector.broadcast %add3A_96 : i32 to vector<16xi32>
    %add3A_98 = arith.addi %add3A_95, %add3A_97 : vector<16xi32>
    %mul3A_99 = arith.constant 8 : i32
    %mul3A_100 = vector.broadcast %mul3A_99 : i32 to vector<16xi32>
    %mul3A_101 = arith.muli %iota3A, %mul3A_100 : vector<16xi32>
    %add3A_102 = arith.constant 128 : i32
    %add3A_103 = vector.broadcast %add3A_102 : i32 to vector<16xi32>
    %add3A_104 = arith.addi %mul3A_101, %add3A_103 : vector<16xi32>
    %add3A_105 = arith.constant 0 : i32
    %add3A_106 = vector.broadcast %add3A_105 : i32 to vector<16xi32>
    %add3A_107 = arith.addi %add3A_104, %add3A_106 : vector<16xi32>
    %mul3A_108 = arith.constant 8 : i32
    %mul3A_109 = vector.broadcast %mul3A_108 : i32 to vector<16xi32>
    %mul3A_110 = arith.muli %iota3A, %mul3A_109 : vector<16xi32>
    %add3A_111 = arith.constant 128 : i32
    %add3A_112 = vector.broadcast %add3A_111 : i32 to vector<16xi32>
    %add3A_113 = arith.addi %mul3A_110, %add3A_112 : vector<16xi32>
    %add3A_114 = arith.constant 1 : i32
    %add3A_115 = vector.broadcast %add3A_114 : i32 to vector<16xi32>
    %add3A_116 = arith.addi %add3A_113, %add3A_115 : vector<16xi32>
    %mul3A_117 = arith.constant 8 : i32
    %mul3A_118 = vector.broadcast %mul3A_117 : i32 to vector<16xi32>
    %mul3A_119 = arith.muli %iota3A, %mul3A_118 : vector<16xi32>
    %add3A_120 = arith.constant 128 : i32
    %add3A_121 = vector.broadcast %add3A_120 : i32 to vector<16xi32>
    %add3A_122 = arith.addi %mul3A_119, %add3A_121 : vector<16xi32>
    %add3A_123 = arith.constant 2 : i32
    %add3A_124 = vector.broadcast %add3A_123 : i32 to vector<16xi32>
    %add3A_125 = arith.addi %add3A_122, %add3A_124 : vector<16xi32>
    %mul3A_126 = arith.constant 8 : i32
    %mul3A_127 = vector.broadcast %mul3A_126 : i32 to vector<16xi32>
    %mul3A_128 = arith.muli %iota3A, %mul3A_127 : vector<16xi32>
    %add3A_129 = arith.constant 128 : i32
    %add3A_130 = vector.broadcast %add3A_129 : i32 to vector<16xi32>
    %add3A_131 = arith.addi %mul3A_128, %add3A_130 : vector<16xi32>
    %add3A_132 = arith.constant 3 : i32
    %add3A_133 = vector.broadcast %add3A_132 : i32 to vector<16xi32>
    %add3A_134 = arith.addi %add3A_131, %add3A_133 : vector<16xi32>
    %mul3A_135 = arith.constant 8 : i32
    %mul3A_136 = vector.broadcast %mul3A_135 : i32 to vector<16xi32>
    %mul3A_137 = arith.muli %iota3A, %mul3A_136 : vector<16xi32>
    %add3A_138 = arith.constant 128 : i32
    %add3A_139 = vector.broadcast %add3A_138 : i32 to vector<16xi32>
    %add3A_140 = arith.addi %mul3A_137, %add3A_139 : vector<16xi32>
    %add3A_141 = arith.constant 4 : i32
    %add3A_142 = vector.broadcast %add3A_141 : i32 to vector<16xi32>
    %add3A_143 = arith.addi %add3A_140, %add3A_142 : vector<16xi32>
    %mul3A_144 = arith.constant 8 : i32
    %mul3A_145 = vector.broadcast %mul3A_144 : i32 to vector<16xi32>
    %mul3A_146 = arith.muli %iota3A, %mul3A_145 : vector<16xi32>
    %add3A_147 = arith.constant 128 : i32
    %add3A_148 = vector.broadcast %add3A_147 : i32 to vector<16xi32>
    %add3A_149 = arith.addi %mul3A_146, %add3A_148 : vector<16xi32>
    %add3A_150 = arith.constant 5 : i32
    %add3A_151 = vector.broadcast %add3A_150 : i32 to vector<16xi32>
    %add3A_152 = arith.addi %add3A_149, %add3A_151 : vector<16xi32>
    %mul3A_153 = arith.constant 8 : i32
    %mul3A_154 = vector.broadcast %mul3A_153 : i32 to vector<16xi32>
    %mul3A_155 = arith.muli %iota3A, %mul3A_154 : vector<16xi32>
    %add3A_156 = arith.constant 128 : i32
    %add3A_157 = vector.broadcast %add3A_156 : i32 to vector<16xi32>
    %add3A_158 = arith.addi %mul3A_155, %add3A_157 : vector<16xi32>
    %add3A_159 = arith.constant 6 : i32
    %add3A_160 = vector.broadcast %add3A_159 : i32 to vector<16xi32>
    %add3A_161 = arith.addi %add3A_158, %add3A_160 : vector<16xi32>
    %mul3A_162 = arith.constant 8 : i32
    %mul3A_163 = vector.broadcast %mul3A_162 : i32 to vector<16xi32>
    %mul3A_164 = arith.muli %iota3A, %mul3A_163 : vector<16xi32>
    %add3A_165 = arith.constant 128 : i32
    %add3A_166 = vector.broadcast %add3A_165 : i32 to vector<16xi32>
    %add3A_167 = arith.addi %mul3A_164, %add3A_166 : vector<16xi32>
    %add3A_168 = arith.constant 7 : i32
    %add3A_169 = vector.broadcast %add3A_168 : i32 to vector<16xi32>
    %add3A_170 = arith.addi %add3A_167, %add3A_169 : vector<16xi32>
    %mul3A_171 = arith.constant 8 : i32
    %mul3A_172 = vector.broadcast %mul3A_171 : i32 to vector<16xi32>
    %mul3A_173 = arith.muli %iota3A, %mul3A_172 : vector<16xi32>
    %add3A_174 = arith.constant 256 : i32
    %add3A_175 = vector.broadcast %add3A_174 : i32 to vector<16xi32>
    %add3A_176 = arith.addi %mul3A_173, %add3A_175 : vector<16xi32>
    %add3A_177 = arith.constant 0 : i32
    %add3A_178 = vector.broadcast %add3A_177 : i32 to vector<16xi32>
    %add3A_179 = arith.addi %add3A_176, %add3A_178 : vector<16xi32>
    %mul3A_180 = arith.constant 8 : i32
    %mul3A_181 = vector.broadcast %mul3A_180 : i32 to vector<16xi32>
    %mul3A_182 = arith.muli %iota3A, %mul3A_181 : vector<16xi32>
    %add3A_183 = arith.constant 256 : i32
    %add3A_184 = vector.broadcast %add3A_183 : i32 to vector<16xi32>
    %add3A_185 = arith.addi %mul3A_182, %add3A_184 : vector<16xi32>
    %add3A_186 = arith.constant 1 : i32
    %add3A_187 = vector.broadcast %add3A_186 : i32 to vector<16xi32>
    %add3A_188 = arith.addi %add3A_185, %add3A_187 : vector<16xi32>
    %mul3A_189 = arith.constant 8 : i32
    %mul3A_190 = vector.broadcast %mul3A_189 : i32 to vector<16xi32>
    %mul3A_191 = arith.muli %iota3A, %mul3A_190 : vector<16xi32>
    %add3A_192 = arith.constant 256 : i32
    %add3A_193 = vector.broadcast %add3A_192 : i32 to vector<16xi32>
    %add3A_194 = arith.addi %mul3A_191, %add3A_193 : vector<16xi32>
    %add3A_195 = arith.constant 2 : i32
    %add3A_196 = vector.broadcast %add3A_195 : i32 to vector<16xi32>
    %add3A_197 = arith.addi %add3A_194, %add3A_196 : vector<16xi32>
    %mul3A_198 = arith.constant 8 : i32
    %mul3A_199 = vector.broadcast %mul3A_198 : i32 to vector<16xi32>
    %mul3A_200 = arith.muli %iota3A, %mul3A_199 : vector<16xi32>
    %add3A_201 = arith.constant 256 : i32
    %add3A_202 = vector.broadcast %add3A_201 : i32 to vector<16xi32>
    %add3A_203 = arith.addi %mul3A_200, %add3A_202 : vector<16xi32>
    %add3A_204 = arith.constant 3 : i32
    %add3A_205 = vector.broadcast %add3A_204 : i32 to vector<16xi32>
    %add3A_206 = arith.addi %add3A_203, %add3A_205 : vector<16xi32>
    %mul3A_207 = arith.constant 8 : i32
    %mul3A_208 = vector.broadcast %mul3A_207 : i32 to vector<16xi32>
    %mul3A_209 = arith.muli %iota3A, %mul3A_208 : vector<16xi32>
    %add3A_210 = arith.constant 256 : i32
    %add3A_211 = vector.broadcast %add3A_210 : i32 to vector<16xi32>
    %add3A_212 = arith.addi %mul3A_209, %add3A_211 : vector<16xi32>
    %add3A_213 = arith.constant 4 : i32
    %add3A_214 = vector.broadcast %add3A_213 : i32 to vector<16xi32>
    %add3A_215 = arith.addi %add3A_212, %add3A_214 : vector<16xi32>
    %mul3A_216 = arith.constant 8 : i32
    %mul3A_217 = vector.broadcast %mul3A_216 : i32 to vector<16xi32>
    %mul3A_218 = arith.muli %iota3A, %mul3A_217 : vector<16xi32>
    %add3A_219 = arith.constant 256 : i32
    %add3A_220 = vector.broadcast %add3A_219 : i32 to vector<16xi32>
    %add3A_221 = arith.addi %mul3A_218, %add3A_220 : vector<16xi32>
    %add3A_222 = arith.constant 5 : i32
    %add3A_223 = vector.broadcast %add3A_222 : i32 to vector<16xi32>
    %add3A_224 = arith.addi %add3A_221, %add3A_223 : vector<16xi32>
    %mul3A_225 = arith.constant 8 : i32
    %mul3A_226 = vector.broadcast %mul3A_225 : i32 to vector<16xi32>
    %mul3A_227 = arith.muli %iota3A, %mul3A_226 : vector<16xi32>
    %add3A_228 = arith.constant 256 : i32
    %add3A_229 = vector.broadcast %add3A_228 : i32 to vector<16xi32>
    %add3A_230 = arith.addi %mul3A_227, %add3A_229 : vector<16xi32>
    %add3A_231 = arith.constant 6 : i32
    %add3A_232 = vector.broadcast %add3A_231 : i32 to vector<16xi32>
    %add3A_233 = arith.addi %add3A_230, %add3A_232 : vector<16xi32>
    %mul3A_234 = arith.constant 8 : i32
    %mul3A_235 = vector.broadcast %mul3A_234 : i32 to vector<16xi32>
    %mul3A_236 = arith.muli %iota3A, %mul3A_235 : vector<16xi32>
    %add3A_237 = arith.constant 256 : i32
    %add3A_238 = vector.broadcast %add3A_237 : i32 to vector<16xi32>
    %add3A_239 = arith.addi %mul3A_236, %add3A_238 : vector<16xi32>
    %add3A_240 = arith.constant 7 : i32
    %add3A_241 = vector.broadcast %add3A_240 : i32 to vector<16xi32>
    %add3A_242 = arith.addi %add3A_239, %add3A_241 : vector<16xi32>
    %mul3A_243 = arith.constant 8 : i32
    %mul3A_244 = vector.broadcast %mul3A_243 : i32 to vector<16xi32>
    %mul3A_245 = arith.muli %iota3A, %mul3A_244 : vector<16xi32>
    %add3A_246 = arith.constant 384 : i32
    %add3A_247 = vector.broadcast %add3A_246 : i32 to vector<16xi32>
    %add3A_248 = arith.addi %mul3A_245, %add3A_247 : vector<16xi32>
    %add3A_249 = arith.constant 0 : i32
    %add3A_250 = vector.broadcast %add3A_249 : i32 to vector<16xi32>
    %add3A_251 = arith.addi %add3A_248, %add3A_250 : vector<16xi32>
    %mul3A_252 = arith.constant 8 : i32
    %mul3A_253 = vector.broadcast %mul3A_252 : i32 to vector<16xi32>
    %mul3A_254 = arith.muli %iota3A, %mul3A_253 : vector<16xi32>
    %add3A_255 = arith.constant 384 : i32
    %add3A_256 = vector.broadcast %add3A_255 : i32 to vector<16xi32>
    %add3A_257 = arith.addi %mul3A_254, %add3A_256 : vector<16xi32>
    %add3A_258 = arith.constant 1 : i32
    %add3A_259 = vector.broadcast %add3A_258 : i32 to vector<16xi32>
    %add3A_260 = arith.addi %add3A_257, %add3A_259 : vector<16xi32>
    %mul3A_261 = arith.constant 8 : i32
    %mul3A_262 = vector.broadcast %mul3A_261 : i32 to vector<16xi32>
    %mul3A_263 = arith.muli %iota3A, %mul3A_262 : vector<16xi32>
    %add3A_264 = arith.constant 384 : i32
    %add3A_265 = vector.broadcast %add3A_264 : i32 to vector<16xi32>
    %add3A_266 = arith.addi %mul3A_263, %add3A_265 : vector<16xi32>
    %add3A_267 = arith.constant 2 : i32
    %add3A_268 = vector.broadcast %add3A_267 : i32 to vector<16xi32>
    %add3A_269 = arith.addi %add3A_266, %add3A_268 : vector<16xi32>
    %mul3A_270 = arith.constant 8 : i32
    %mul3A_271 = vector.broadcast %mul3A_270 : i32 to vector<16xi32>
    %mul3A_272 = arith.muli %iota3A, %mul3A_271 : vector<16xi32>
    %add3A_273 = arith.constant 384 : i32
    %add3A_274 = vector.broadcast %add3A_273 : i32 to vector<16xi32>
    %add3A_275 = arith.addi %mul3A_272, %add3A_274 : vector<16xi32>
    %add3A_276 = arith.constant 3 : i32
    %add3A_277 = vector.broadcast %add3A_276 : i32 to vector<16xi32>
    %add3A_278 = arith.addi %add3A_275, %add3A_277 : vector<16xi32>
    %mul3A_279 = arith.constant 8 : i32
    %mul3A_280 = vector.broadcast %mul3A_279 : i32 to vector<16xi32>
    %mul3A_281 = arith.muli %iota3A, %mul3A_280 : vector<16xi32>
    %add3A_282 = arith.constant 384 : i32
    %add3A_283 = vector.broadcast %add3A_282 : i32 to vector<16xi32>
    %add3A_284 = arith.addi %mul3A_281, %add3A_283 : vector<16xi32>
    %add3A_285 = arith.constant 4 : i32
    %add3A_286 = vector.broadcast %add3A_285 : i32 to vector<16xi32>
    %add3A_287 = arith.addi %add3A_284, %add3A_286 : vector<16xi32>
    %mul3A_288 = arith.constant 8 : i32
    %mul3A_289 = vector.broadcast %mul3A_288 : i32 to vector<16xi32>
    %mul3A_290 = arith.muli %iota3A, %mul3A_289 : vector<16xi32>
    %add3A_291 = arith.constant 384 : i32
    %add3A_292 = vector.broadcast %add3A_291 : i32 to vector<16xi32>
    %add3A_293 = arith.addi %mul3A_290, %add3A_292 : vector<16xi32>
    %add3A_294 = arith.constant 5 : i32
    %add3A_295 = vector.broadcast %add3A_294 : i32 to vector<16xi32>
    %add3A_296 = arith.addi %add3A_293, %add3A_295 : vector<16xi32>
    %mul3A_297 = arith.constant 8 : i32
    %mul3A_298 = vector.broadcast %mul3A_297 : i32 to vector<16xi32>
    %mul3A_299 = arith.muli %iota3A, %mul3A_298 : vector<16xi32>
    %add3A_300 = arith.constant 384 : i32
    %add3A_301 = vector.broadcast %add3A_300 : i32 to vector<16xi32>
    %add3A_302 = arith.addi %mul3A_299, %add3A_301 : vector<16xi32>
    %add3A_303 = arith.constant 6 : i32
    %add3A_304 = vector.broadcast %add3A_303 : i32 to vector<16xi32>
    %add3A_305 = arith.addi %add3A_302, %add3A_304 : vector<16xi32>
    %mul3A_306 = arith.constant 8 : i32
    %mul3A_307 = vector.broadcast %mul3A_306 : i32 to vector<16xi32>
    %mul3A_308 = arith.muli %iota3A, %mul3A_307 : vector<16xi32>
    %add3A_309 = arith.constant 384 : i32
    %add3A_310 = vector.broadcast %add3A_309 : i32 to vector<16xi32>
    %add3A_311 = arith.addi %mul3A_308, %add3A_310 : vector<16xi32>
    %add3A_312 = arith.constant 7 : i32
    %add3A_313 = vector.broadcast %add3A_312 : i32 to vector<16xi32>
    %add3A_314 = arith.addi %add3A_311, %add3A_313 : vector<16xi32>
    %broadcast_in_dim3A = arith.constant -3.000000e+38 : f32
    %broadcast_in_dim3A_315 = vector.broadcast %broadcast_in_dim3A : f32 to vector<16xf32>
    %broadcast_in_dim3A_316 = arith.constant 0.000000e+00 : f32
    %broadcast_in_dim3A_317 = vector.broadcast %broadcast_in_dim3A_316 : f32 to vector<16xf32>
    %scan3A = arith.constant 0 : i32
    %scan3A_318 = arith.constant 0 : i32
    %scan3A_319 = arith.constant 16 : i32
    %scan3A_320 = arith.addi %scan3A_318, %scan3A_319 : i32
    %scan3A_321 = arith.constant 1 : i32
    scf.for %scan3A_323 = %scan3A_318 to %scan3A_320 step %scan3A_321  : i32 {
      %mul3A_324 = arith.constant 64 : i32
      %mul3A_325 = arith.muli %scan3A_323, %mul3A_324 : i32
      %add3A_326 = arith.addi %mul3A_2, %mul3A_325 : i32
      %mul3A_327 = arith.constant 64 : i32
      %mul3A_328 = arith.muli %add3A_326, %mul3A_327 : i32
      "tpu.region"() ({
        %run_scoped3A = tpu.sem_alloc : memref<!tpu.dma_semaphore, #tpu.memory_space<semaphore_mem>>
        %dma_start3A = tpu.memref_slice %arg2[%mul3A_328] : memref<2097152xf32, #tpu.memory_space<hbm>> -> memref<4096xf32, #tpu.memory_space<hbm>>
        %dma_start3A_402 = tpu.memref_slice %arg2[%mul3A_328] : memref<2097152xf32, #tpu.memory_space<hbm>> -> memref<4096xf32, #tpu.memory_space<hbm>>
        tpu.enqueue_dma source(%dma_start3A_402 : memref<4096xf32, #tpu.memory_space<hbm>>) target(%arg4 : memref<4096xf32, #tpu.memory_space<vmem>>) target_semaphore(%run_scoped3A : memref<!tpu.dma_semaphore, #tpu.memory_space<semaphore_mem>>)
        %dma_wait3A = tpu.memref_slice %arg2[%mul3A_328] : memref<2097152xf32, #tpu.memory_space<hbm>> -> memref<4096xf32, #tpu.memory_space<hbm>>
        %dma_wait3A_403 = tpu.memref_slice %arg2[%mul3A_328] : memref<2097152xf32, #tpu.memory_space<hbm>> -> memref<4096xf32, #tpu.memory_space<hbm>>
        tpu.wait_dma2 semaphore(%run_scoped3A : memref<!tpu.dma_semaphore, #tpu.memory_space<semaphore_mem>>) src(%dma_wait3A_403 : memref<4096xf32, #tpu.memory_space<hbm>>) dst(%arg4 : memref<4096xf32, #tpu.memory_space<vmem>>)
        tpu.yield
      }) : () -> ()
      %scan3A_329 = arith.constant 0 : i32
      %scan3A_330 = arith.constant 64 : i32
      %scan3A_331 = arith.addi %scan3A_329, %scan3A_330 : i32
      %scan3A_332 = arith.constant 1 : i32
      %scan3A_333:40 = scf.for %scan3A_402 = %scan3A_329 to %scan3A_331 step %scan3A_332 iter_args(%scan3A_403 = %broadcast_in_dim3A_315, %scan3A_404 = %broadcast_in_dim3A_315, %scan3A_405 = %broadcast_in_dim3A_315, %scan3A_406 = %broadcast_in_dim3A_315, %scan3A_407 = %broadcast_in_dim3A_315, %scan3A_408 = %broadcast_in_dim3A_317, %scan3A_409 = %broadcast_in_dim3A_317, %scan3A_410 = %broadcast_in_dim3A_317, %scan3A_411 = %broadcast_in_dim3A_317, %scan3A_412 = %broadcast_in_dim3A_317, %scan3A_413 = %broadcast_in_dim3A_315, %scan3A_414 = %broadcast_in_dim3A_315, %scan3A_415 = %broadcast_in_dim3A_315, %scan3A_416 = %broadcast_in_dim3A_315, %scan3A_417 = %broadcast_in_dim3A_315, %scan3A_418 = %broadcast_in_dim3A_317, %scan3A_419 = %broadcast_in_dim3A_317, %scan3A_420 = %broadcast_in_dim3A_317, %scan3A_421 = %broadcast_in_dim3A_317, %scan3A_422 = %broadcast_in_dim3A_317, %scan3A_423 = %broadcast_in_dim3A_315, %scan3A_424 = %broadcast_in_dim3A_315, %scan3A_425 = %broadcast_in_dim3A_315, %scan3A_426 = %broadcast_in_dim3A_315, %scan3A_427 = %broadcast_in_dim3A_315, %scan3A_428 = %broadcast_in_dim3A_317, %scan3A_429 = %broadcast_in_dim3A_317, %scan3A_430 = %broadcast_in_dim3A_317, %scan3A_431 = %broadcast_in_dim3A_317, %scan3A_432 = %broadcast_in_dim3A_317, %scan3A_433 = %broadcast_in_dim3A_315, %scan3A_434 = %broadcast_in_dim3A_315, %scan3A_435 = %broadcast_in_dim3A_315, %scan3A_436 = %broadcast_in_dim3A_315, %scan3A_437 = %broadcast_in_dim3A_315, %scan3A_438 = %broadcast_in_dim3A_317, %scan3A_439 = %broadcast_in_dim3A_317, %scan3A_440 = %broadcast_in_dim3A_317, %scan3A_441 = %broadcast_in_dim3A_317, %scan3A_442 = %broadcast_in_dim3A_317) -> (vector<16xf32>, vector<16xf32>, vector<16xf32>, vector<16xf32>, vector<16xf32>, vector<16xf32>, vector<16xf32>, vector<16xf32>, vector<16xf32>, vector<16xf32>, vector<16xf32>, vector<16xf32>, vector<16xf32>, vector<16xf32>, vector<16xf32>, vector<16xf32>, vector<16xf32>, vector<16xf32>, vector<16xf32>, vector<16xf32>, vector<16xf32>, vector<16xf32>, vector<16xf32>, vector<16xf32>, vector<16xf32>, vector<16xf32>, vector<16xf32>, vector<16xf32>, vector<16xf32>, vector<16xf32>, vector<16xf32>, vector<16xf32>, vector<16xf32>, vector<16xf32>, vector<16xf32>, vector<16xf32>, vector<16xf32>, vector<16xf32>, vector<16xf32>, vector<16xf32>)  : i32 {
        %broadcast_in_dim3A_443 = vector.broadcast %scan3A_402 : i32 to vector<16xi32>
        %convert_element_type3A = arith.sitofp %broadcast_in_dim3A_443 : vector<16xi32> to vector<16xf32>
        %add3A_444 = vector.broadcast %scan3A_402 : i32 to vector<16xi32>
        %add3A_445 = arith.addi %add3A_8, %add3A_444 : vector<16xi32>
        %gather3A = tpu.vector_load_idx %arg4[%add3A_445] : memref<4096xf32, #tpu.memory_space<vmem>>[vector<16xi32>], vector<16xf32>,
        %gt3A = arith.cmpf ogt, %gather3A, %scan3A_403 : vector<16xf32>
        %gt3A_446 = arith.cmpf ogt, %gather3A, %scan3A_404 : vector<16xf32>
        %gt3A_447 = arith.cmpf ogt, %gather3A, %scan3A_405 : vector<16xf32>
        %gt3A_448 = arith.cmpf ogt, %gather3A, %scan3A_406 : vector<16xf32>
        %gt3A_449 = arith.cmpf ogt, %gather3A, %scan3A_407 : vector<16xf32>
        %select_n3A = arith.select %gt3A, %gather3A, %scan3A_403 : vector<16xi1>, vector<16xf32>
        %select_n3A_450 = arith.select %gt3A_446, %gather3A, %scan3A_404 : vector<16xi1>, vector<16xf32>
        %select_n3A_451 = arith.select %gt3A, %scan3A_403, %select_n3A_450 : vector<16xi1>, vector<16xf32>
        %select_n3A_452 = arith.select %gt3A_447, %gather3A, %scan3A_405 : vector<16xi1>, vector<16xf32>
        %select_n3A_453 = arith.select %gt3A_446, %scan3A_404, %select_n3A_452 : vector<16xi1>, vector<16xf32>
        %select_n3A_454 = arith.select %gt3A_448, %gather3A, %scan3A_406 : vector<16xi1>, vector<16xf32>
        %select_n3A_455 = arith.select %gt3A_447, %scan3A_405, %select_n3A_454 : vector<16xi1>, vector<16xf32>
        %select_n3A_456 = arith.select %gt3A_449, %gather3A, %scan3A_407 : vector<16xi1>, vector<16xf32>
        %select_n3A_457 = arith.select %gt3A_448, %scan3A_406, %select_n3A_456 : vector<16xi1>, vector<16xf32>
        %select_n3A_458 = arith.select %gt3A, %convert_element_type3A, %scan3A_408 : vector<16xi1>, vector<16xf32>
        %select_n3A_459 = arith.select %gt3A_446, %convert_element_type3A, %scan3A_409 : vector<16xi1>, vector<16xf32>
        %select_n3A_460 = arith.select %gt3A, %scan3A_408, %select_n3A_459 : vector<16xi1>, vector<16xf32>
        %select_n3A_461 = arith.select %gt3A_447, %convert_element_type3A, %scan3A_410 : vector<16xi1>, vector<16xf32>
        %select_n3A_462 = arith.select %gt3A_446, %scan3A_409, %select_n3A_461 : vector<16xi1>, vector<16xf32>
        %select_n3A_463 = arith.select %gt3A_448, %convert_element_type3A, %scan3A_411 : vector<16xi1>, vector<16xf32>
        %select_n3A_464 = arith.select %gt3A_447, %scan3A_410, %select_n3A_463 : vector<16xi1>, vector<16xf32>
        %select_n3A_465 = arith.select %gt3A_449, %convert_element_type3A, %scan3A_412 : vector<16xi1>, vector<16xf32>
        %select_n3A_466 = arith.select %gt3A_448, %scan3A_411, %select_n3A_465 : vector<16xi1>, vector<16xf32>
        %add3A_467 = vector.broadcast %scan3A_402 : i32 to vector<16xi32>
        %add3A_468 = arith.addi %add3A_14, %add3A_467 : vector<16xi32>
        %gather3A_469 = tpu.vector_load_idx %arg4[%add3A_468] : memref<4096xf32, #tpu.memory_space<vmem>>[vector<16xi32>], vector<16xf32>,
        %gt3A_470 = arith.cmpf ogt, %gather3A_469, %scan3A_413 : vector<16xf32>
        %gt3A_471 = arith.cmpf ogt, %gather3A_469, %scan3A_414 : vector<16xf32>
        %gt3A_472 = arith.cmpf ogt, %gather3A_469, %scan3A_415 : vector<16xf32>
        %gt3A_473 = arith.cmpf ogt, %gather3A_469, %scan3A_416 : vector<16xf32>
        %gt3A_474 = arith.cmpf ogt, %gather3A_469, %scan3A_417 : vector<16xf32>
        %select_n3A_475 = arith.select %gt3A_470, %gather3A_469, %scan3A_413 : vector<16xi1>, vector<16xf32>
        %select_n3A_476 = arith.select %gt3A_471, %gather3A_469, %scan3A_414 : vector<16xi1>, vector<16xf32>
        %select_n3A_477 = arith.select %gt3A_470, %scan3A_413, %select_n3A_476 : vector<16xi1>, vector<16xf32>
        %select_n3A_478 = arith.select %gt3A_472, %gather3A_469, %scan3A_415 : vector<16xi1>, vector<16xf32>
        %select_n3A_479 = arith.select %gt3A_471, %scan3A_414, %select_n3A_478 : vector<16xi1>, vector<16xf32>
        %select_n3A_480 = arith.select %gt3A_473, %gather3A_469, %scan3A_416 : vector<16xi1>, vector<16xf32>
        %select_n3A_481 = arith.select %gt3A_472, %scan3A_415, %select_n3A_480 : vector<16xi1>, vector<16xf32>
        %select_n3A_482 = arith.select %gt3A_474, %gather3A_469, %scan3A_417 : vector<16xi1>, vector<16xf32>
        %select_n3A_483 = arith.select %gt3A_473, %scan3A_416, %select_n3A_482 : vector<16xi1>, vector<16xf32>
        %select_n3A_484 = arith.select %gt3A_470, %convert_element_type3A, %scan3A_418 : vector<16xi1>, vector<16xf32>
        %select_n3A_485 = arith.select %gt3A_471, %convert_element_type3A, %scan3A_419 : vector<16xi1>, vector<16xf32>
        %select_n3A_486 = arith.select %gt3A_470, %scan3A_418, %select_n3A_485 : vector<16xi1>, vector<16xf32>
        %select_n3A_487 = arith.select %gt3A_472, %convert_element_type3A, %scan3A_420 : vector<16xi1>, vector<16xf32>
        %select_n3A_488 = arith.select %gt3A_471, %scan3A_419, %select_n3A_487 : vector<16xi1>, vector<16xf32>
        %select_n3A_489 = arith.select %gt3A_473, %convert_element_type3A, %scan3A_421 : vector<16xi1>, vector<16xf32>
        %select_n3A_490 = arith.select %gt3A_472, %scan3A_420, %select_n3A_489 : vector<16xi1>, vector<16xf32>
        %select_n3A_491 = arith.select %gt3A_474, %convert_element_type3A, %scan3A_422 : vector<16xi1>, vector<16xf32>
        %select_n3A_492 = arith.select %gt3A_473, %scan3A_421, %select_n3A_491 : vector<16xi1>, vector<16xf32>
        %add3A_493 = vector.broadcast %scan3A_402 : i32 to vector<16xi32>
        %add3A_494 = arith.addi %add3A_20, %add3A_493 : vector<16xi32>
        %gather3A_495 = tpu.vector_load_idx %arg4[%add3A_494] : memref<4096xf32, #tpu.memory_space<vmem>>[vector<16xi32>], vector<16xf32>,
        %gt3A_496 = arith.cmpf ogt, %gather3A_495, %scan3A_423 : vector<16xf32>
        %gt3A_497 = arith.cmpf ogt, %gather3A_495, %scan3A_424 : vector<16xf32>
        %gt3A_498 = arith.cmpf ogt, %gather3A_495, %scan3A_425 : vector<16xf32>
        %gt3A_499 = arith.cmpf ogt, %gather3A_495, %scan3A_426 : vector<16xf32>
        %gt3A_500 = arith.cmpf ogt, %gather3A_495, %scan3A_427 : vector<16xf32>
        %select_n3A_501 = arith.select %gt3A_496, %gather3A_495, %scan3A_423 : vector<16xi1>, vector<16xf32>
        %select_n3A_502 = arith.select %gt3A_497, %gather3A_495, %scan3A_424 : vector<16xi1>, vector<16xf32>
        %select_n3A_503 = arith.select %gt3A_496, %scan3A_423, %select_n3A_502 : vector<16xi1>, vector<16xf32>
        %select_n3A_504 = arith.select %gt3A_498, %gather3A_495, %scan3A_425 : vector<16xi1>, vector<16xf32>
        %select_n3A_505 = arith.select %gt3A_497, %scan3A_424, %select_n3A_504 : vector<16xi1>, vector<16xf32>
        %select_n3A_506 = arith.select %gt3A_499, %gather3A_495, %scan3A_426 : vector<16xi1>, vector<16xf32>
        %select_n3A_507 = arith.select %gt3A_498, %scan3A_425, %select_n3A_506 : vector<16xi1>, vector<16xf32>
        %select_n3A_508 = arith.select %gt3A_500, %gather3A_495, %scan3A_427 : vector<16xi1>, vector<16xf32>
        %select_n3A_509 = arith.select %gt3A_499, %scan3A_426, %select_n3A_508 : vector<16xi1>, vector<16xf32>
        %select_n3A_510 = arith.select %gt3A_496, %convert_element_type3A, %scan3A_428 : vector<16xi1>, vector<16xf32>
        %select_n3A_511 = arith.select %gt3A_497, %convert_element_type3A, %scan3A_429 : vector<16xi1>, vector<16xf32>
        %select_n3A_512 = arith.select %gt3A_496, %scan3A_428, %select_n3A_511 : vector<16xi1>, vector<16xf32>
        %select_n3A_513 = arith.select %gt3A_498, %convert_element_type3A, %scan3A_430 : vector<16xi1>, vector<16xf32>
        %select_n3A_514 = arith.select %gt3A_497, %scan3A_429, %select_n3A_513 : vector<16xi1>, vector<16xf32>
        %select_n3A_515 = arith.select %gt3A_499, %convert_element_type3A, %scan3A_431 : vector<16xi1>, vector<16xf32>
        %select_n3A_516 = arith.select %gt3A_498, %scan3A_430, %select_n3A_515 : vector<16xi1>, vector<16xf32>
        %select_n3A_517 = arith.select %gt3A_500, %convert_element_type3A, %scan3A_432 : vector<16xi1>, vector<16xf32>
        %select_n3A_518 = arith.select %gt3A_499, %scan3A_431, %select_n3A_517 : vector<16xi1>, vector<16xf32>
        %add3A_519 = vector.broadcast %scan3A_402 : i32 to vector<16xi32>
        %add3A_520 = arith.addi %add3A_26, %add3A_519 : vector<16xi32>
        %gather3A_521 = tpu.vector_load_idx %arg4[%add3A_520] : memref<4096xf32, #tpu.memory_space<vmem>>[vector<16xi32>], vector<16xf32>,
        %gt3A_522 = arith.cmpf ogt, %gather3A_521, %scan3A_433 : vector<16xf32>
        %gt3A_523 = arith.cmpf ogt, %gather3A_521, %scan3A_434 : vector<16xf32>
        %gt3A_524 = arith.cmpf ogt, %gather3A_521, %scan3A_435 : vector<16xf32>
        %gt3A_525 = arith.cmpf ogt, %gather3A_521, %scan3A_436 : vector<16xf32>
        %gt3A_526 = arith.cmpf ogt, %gather3A_521, %scan3A_437 : vector<16xf32>
        %select_n3A_527 = arith.select %gt3A_522, %gather3A_521, %scan3A_433 : vector<16xi1>, vector<16xf32>
        %select_n3A_528 = arith.select %gt3A_523, %gather3A_521, %scan3A_434 : vector<16xi1>, vector<16xf32>
        %select_n3A_529 = arith.select %gt3A_522, %scan3A_433, %select_n3A_528 : vector<16xi1>, vector<16xf32>
        %select_n3A_530 = arith.select %gt3A_524, %gather3A_521, %scan3A_435 : vector<16xi1>, vector<16xf32>
        %select_n3A_531 = arith.select %gt3A_523, %scan3A_434, %select_n3A_530 : vector<16xi1>, vector<16xf32>
        %select_n3A_532 = arith.select %gt3A_525, %gather3A_521, %scan3A_436 : vector<16xi1>, vector<16xf32>
        %select_n3A_533 = arith.select %gt3A_524, %scan3A_435, %select_n3A_532 : vector<16xi1>, vector<16xf32>
        %select_n3A_534 = arith.select %gt3A_526, %gather3A_521, %scan3A_437 : vector<16xi1>, vector<16xf32>
        %select_n3A_535 = arith.select %gt3A_525, %scan3A_436, %select_n3A_534 : vector<16xi1>, vector<16xf32>
        %select_n3A_536 = arith.select %gt3A_522, %convert_element_type3A, %scan3A_438 : vector<16xi1>, vector<16xf32>
        %select_n3A_537 = arith.select %gt3A_523, %convert_element_type3A, %scan3A_439 : vector<16xi1>, vector<16xf32>
        %select_n3A_538 = arith.select %gt3A_522, %scan3A_438, %select_n3A_537 : vector<16xi1>, vector<16xf32>
        %select_n3A_539 = arith.select %gt3A_524, %convert_element_type3A, %scan3A_440 : vector<16xi1>, vector<16xf32>
        %select_n3A_540 = arith.select %gt3A_523, %scan3A_439, %select_n3A_539 : vector<16xi1>, vector<16xf32>
        %select_n3A_541 = arith.select %gt3A_525, %convert_element_type3A, %scan3A_441 : vector<16xi1>, vector<16xf32>
        %select_n3A_542 = arith.select %gt3A_524, %scan3A_440, %select_n3A_541 : vector<16xi1>, vector<16xf32>
        %select_n3A_543 = arith.select %gt3A_526, %convert_element_type3A, %scan3A_442 : vector<16xi1>, vector<16xf32>
        %select_n3A_544 = arith.select %gt3A_525, %scan3A_441, %select_n3A_543 : vector<16xi1>, vector<16xf32>
        scf.yield %select_n3A, %select_n3A_451, %select_n3A_453, %select_n3A_455, %select_n3A_457, %select_n3A_458, %select_n3A_460, %select_n3A_462, %select_n3A_464, %select_n3A_466, %select_n3A_475, %select_n3A_477, %select_n3A_479, %select_n3A_481, %select_n3A_483, %select_n3A_484, %select_n3A_486, %select_n3A_488, %select_n3A_490, %select_n3A_492, %select_n3A_501, %select_n3A_503, %select_n3A_505, %select_n3A_507, %select_n3A_509, %select_n3A_510, %select_n3A_512, %select_n3A_514, %select_n3A_516, %select_n3A_518, %select_n3A_527, %select_n3A_529, %select_n3A_531, %select_n3A_533, %select_n3A_535, %select_n3A_536, %select_n3A_538, %select_n3A_540, %select_n3A_542, %select_n3A_544 : vector<16xf32>, vector<16xf32>, vector<16xf32>, vector<16xf32>, vector<16xf32>, vector<16xf32>, vector<16xf32>, vector<16xf32>, vector<16xf32>, vector<16xf32>, vector<16xf32>, vector<16xf32>, vector<16xf32>, vector<16xf32>, vector<16xf32>, vector<16xf32>, vector<16xf32>, vector<16xf32>, vector<16xf32>, vector<16xf32>, vector<16xf32>, vector<16xf32>, vector<16xf32>, vector<16xf32>, vector<16xf32>, vector<16xf32>, vector<16xf32>, vector<16xf32>, vector<16xf32>, vector<16xf32>, vector<16xf32>, vector<16xf32>, vector<16xf32>, vector<16xf32>, vector<16xf32>, vector<16xf32>, vector<16xf32>, vector<16xf32>, vector<16xf32>, vector<16xf32>
      }
      %scan3A_334 = arith.constant 64 : i32
      %sub3A = arith.subf %scan3A_333#2, %scan3A_333#1 : vector<16xf32>
      %exp3A = math.exp %sub3A : vector<16xf32>
      %sub3A_335 = arith.subf %scan3A_333#3, %scan3A_333#1 : vector<16xf32>
      %exp3A_336 = math.exp %sub3A_335 : vector<16xf32>
      %sub3A_337 = arith.subf %scan3A_333#4, %scan3A_333#1 : vector<16xf32>
      %exp3A_338 = math.exp %sub3A_337 : vector<16xf32>
      %add3A_339 = arith.constant 1.000000e+00 : f32
      %add3A_340 = vector.broadcast %add3A_339 : f32 to vector<16xf32>
      %add3A_341 = arith.addf %add3A_340, %exp3A : vector<16xf32>
      %add3A_342 = arith.addf %add3A_341, %exp3A_336 : vector<16xf32>
      %add3A_343 = arith.addf %add3A_342, %exp3A_338 : vector<16xf32>
      %div3A = arith.constant 1.000000e+00 : f32
      %div3A_344 = vector.broadcast %div3A : f32 to vector<16xf32>
      %div3A_345 = arith.divf %div3A_344, %add3A_343 : vector<16xf32>
      tpu.vector_store_idx %arg5[%add3A_35], %div3A_345 : memref<512xf32, #tpu.memory_space<vmem>>[vector<16xi32>], vector<16xf32>,
      %mul3A_346 = arith.mulf %exp3A, %div3A_345 : vector<16xf32>
      tpu.vector_store_idx %arg5[%add3A_44], %mul3A_346 : memref<512xf32, #tpu.memory_space<vmem>>[vector<16xi32>], vector<16xf32>,
      %mul3A_347 = arith.mulf %exp3A_336, %div3A_345 : vector<16xf32>
      tpu.vector_store_idx %arg5[%add3A_53], %mul3A_347 : memref<512xf32, #tpu.memory_space<vmem>>[vector<16xi32>], vector<16xf32>,
      %mul3A_348 = arith.mulf %exp3A_338, %div3A_345 : vector<16xf32>
      tpu.vector_store_idx %arg5[%add3A_62], %mul3A_348 : memref<512xf32, #tpu.memory_space<vmem>>[vector<16xi32>], vector<16xf32>,
      tpu.vector_store_idx %arg5[%add3A_71], %scan3A_333#6 : memref<512xf32, #tpu.memory_space<vmem>>[vector<16xi32>], vector<16xf32>,
      tpu.vector_store_idx %arg5[%add3A_80], %scan3A_333#7 : memref<512xf32, #tpu.memory_space<vmem>>[vector<16xi32>], vector<16xf32>,
      tpu.vector_store_idx %arg5[%add3A_89], %scan3A_333#8 : memref<512xf32, #tpu.memory_space<vmem>>[vector<16xi32>], vector<16xf32>,
      tpu.vector_store_idx %arg5[%add3A_98], %scan3A_333#9 : memref<512xf32, #tpu.memory_space<vmem>>[vector<16xi32>], vector<16xf32>,
      %sub3A_349 = arith.subf %scan3A_333#12, %scan3A_333#11 : vector<16xf32>
      %exp3A_350 = math.exp %sub3A_349 : vector<16xf32>
      %sub3A_351 = arith.subf %scan3A_333#13, %scan3A_333#11 : vector<16xf32>
      %exp3A_352 = math.exp %sub3A_351 : vector<16xf32>
      %sub3A_353 = arith.subf %scan3A_333#14, %scan3A_333#11 : vector<16xf32>
      %exp3A_354 = math.exp %sub3A_353 : vector<16xf32>
      %add3A_355 = arith.constant 1.000000e+00 : f32
      %add3A_356 = vector.broadcast %add3A_355 : f32 to vector<16xf32>
      %add3A_357 = arith.addf %add3A_356, %exp3A_350 : vector<16xf32>
      %add3A_358 = arith.addf %add3A_357, %exp3A_352 : vector<16xf32>
      %add3A_359 = arith.addf %add3A_358, %exp3A_354 : vector<16xf32>
      %div3A_360 = arith.constant 1.000000e+00 : f32
      %div3A_361 = vector.broadcast %div3A_360 : f32 to vector<16xf32>
      %div3A_362 = arith.divf %div3A_361, %add3A_359 : vector<16xf32>
      tpu.vector_store_idx %arg5[%add3A_107], %div3A_362 : memref<512xf32, #tpu.memory_space<vmem>>[vector<16xi32>], vector<16xf32>,
      %mul3A_363 = arith.mulf %exp3A_350, %div3A_362 : vector<16xf32>
      tpu.vector_store_idx %arg5[%add3A_116], %mul3A_363 : memref<512xf32, #tpu.memory_space<vmem>>[vector<16xi32>], vector<16xf32>,
      %mul3A_364 = arith.mulf %exp3A_352, %div3A_362 : vector<16xf32>
      tpu.vector_store_idx %arg5[%add3A_125], %mul3A_364 : memref<512xf32, #tpu.memory_space<vmem>>[vector<16xi32>], vector<16xf32>,
      %mul3A_365 = arith.mulf %exp3A_354, %div3A_362 : vector<16xf32>
      tpu.vector_store_idx %arg5[%add3A_134], %mul3A_365 : memref<512xf32, #tpu.memory_space<vmem>>[vector<16xi32>], vector<16xf32>,
      tpu.vector_store_idx %arg5[%add3A_143], %scan3A_333#16 : memref<512xf32, #tpu.memory_space<vmem>>[vector<16xi32>], vector<16xf32>,
      tpu.vector_store_idx %arg5[%add3A_152], %scan3A_333#17 : memref<512xf32, #tpu.memory_space<vmem>>[vector<16xi32>], vector<16xf32>,
      tpu.vector_store_idx %arg5[%add3A_161], %scan3A_333#18 : memref<512xf32, #tpu.memory_space<vmem>>[vector<16xi32>], vector<16xf32>,
      tpu.vector_store_idx %arg5[%add3A_170], %scan3A_333#19 : memref<512xf32, #tpu.memory_space<vmem>>[vector<16xi32>], vector<16xf32>,
      %sub3A_366 = arith.subf %scan3A_333#22, %scan3A_333#21 : vector<16xf32>
      %exp3A_367 = math.exp %sub3A_366 : vector<16xf32>
      %sub3A_368 = arith.subf %scan3A_333#23, %scan3A_333#21 : vector<16xf32>
      %exp3A_369 = math.exp %sub3A_368 : vector<16xf32>
      %sub3A_370 = arith.subf %scan3A_333#24, %scan3A_333#21 : vector<16xf32>
      %exp3A_371 = math.exp %sub3A_370 : vector<16xf32>
      %add3A_372 = arith.constant 1.000000e+00 : f32
      %add3A_373 = vector.broadcast %add3A_372 : f32 to vector<16xf32>
      %add3A_374 = arith.addf %add3A_373, %exp3A_367 : vector<16xf32>
      %add3A_375 = arith.addf %add3A_374, %exp3A_369 : vector<16xf32>
      %add3A_376 = arith.addf %add3A_375, %exp3A_371 : vector<16xf32>
      %div3A_377 = arith.constant 1.000000e+00 : f32
      %div3A_378 = vector.broadcast %div3A_377 : f32 to vector<16xf32>
      %div3A_379 = arith.divf %div3A_378, %add3A_376 : vector<16xf32>
      tpu.vector_store_idx %arg5[%add3A_179], %div3A_379 : memref<512xf32, #tpu.memory_space<vmem>>[vector<16xi32>], vector<16xf32>,
      %mul3A_380 = arith.mulf %exp3A_367, %div3A_379 : vector<16xf32>
      tpu.vector_store_idx %arg5[%add3A_188], %mul3A_380 : memref<512xf32, #tpu.memory_space<vmem>>[vector<16xi32>], vector<16xf32>,
      %mul3A_381 = arith.mulf %exp3A_369, %div3A_379 : vector<16xf32>
      tpu.vector_store_idx %arg5[%add3A_197], %mul3A_381 : memref<512xf32, #tpu.memory_space<vmem>>[vector<16xi32>], vector<16xf32>,
      %mul3A_382 = arith.mulf %exp3A_371, %div3A_379 : vector<16xf32>
      tpu.vector_store_idx %arg5[%add3A_206], %mul3A_382 : memref<512xf32, #tpu.memory_space<vmem>>[vector<16xi32>], vector<16xf32>,
      tpu.vector_store_idx %arg5[%add3A_215], %scan3A_333#26 : memref<512xf32, #tpu.memory_space<vmem>>[vector<16xi32>], vector<16xf32>,
      tpu.vector_store_idx %arg5[%add3A_224], %scan3A_333#27 : memref<512xf32, #tpu.memory_space<vmem>>[vector<16xi32>], vector<16xf32>,
      tpu.vector_store_idx %arg5[%add3A_233], %scan3A_333#28 : memref<512xf32, #tpu.memory_space<vmem>>[vector<16xi32>], vector<16xf32>,
      tpu.vector_store_idx %arg5[%add3A_242], %scan3A_333#29 : memref<512xf32, #tpu.memory_space<vmem>>[vector<16xi32>], vector<16xf32>,
      %sub3A_383 = arith.subf %scan3A_333#32, %scan3A_333#31 : vector<16xf32>
      %exp3A_384 = math.exp %sub3A_383 : vector<16xf32>
      %sub3A_385 = arith.subf %scan3A_333#33, %scan3A_333#31 : vector<16xf32>
      %exp3A_386 = math.exp %sub3A_385 : vector<16xf32>
      %sub3A_387 = arith.subf %scan3A_333#34, %scan3A_333#31 : vector<16xf32>
      %exp3A_388 = math.exp %sub3A_387 : vector<16xf32>
      %add3A_389 = arith.constant 1.000000e+00 : f32
      %add3A_390 = vector.broadcast %add3A_389 : f32 to vector<16xf32>
      %add3A_391 = arith.addf %add3A_390, %exp3A_384 : vector<16xf32>
      %add3A_392 = arith.addf %add3A_391, %exp3A_386 : vector<16xf32>
      %add3A_393 = arith.addf %add3A_392, %exp3A_388 : vector<16xf32>
      %div3A_394 = arith.constant 1.000000e+00 : f32
      %div3A_395 = vector.broadcast %div3A_394 : f32 to vector<16xf32>
      %div3A_396 = arith.divf %div3A_395, %add3A_393 : vector<16xf32>
      tpu.vector_store_idx %arg5[%add3A_251], %div3A_396 : memref<512xf32, #tpu.memory_space<vmem>>[vector<16xi32>], vector<16xf32>,
      %mul3A_397 = arith.mulf %exp3A_384, %div3A_396 : vector<16xf32>
      tpu.vector_store_idx %arg5[%add3A_260], %mul3A_397 : memref<512xf32, #tpu.memory_space<vmem>>[vector<16xi32>], vector<16xf32>,
      %mul3A_398 = arith.mulf %exp3A_386, %div3A_396 : vector<16xf32>
      tpu.vector_store_idx %arg5[%add3A_269], %mul3A_398 : memref<512xf32, #tpu.memory_space<vmem>>[vector<16xi32>], vector<16xf32>,
      %mul3A_399 = arith.mulf %exp3A_388, %div3A_396 : vector<16xf32>
      tpu.vector_store_idx %arg5[%add3A_278], %mul3A_399 : memref<512xf32, #tpu.memory_space<vmem>>[vector<16xi32>], vector<16xf32>,
      tpu.vector_store_idx %arg5[%add3A_287], %scan3A_333#36 : memref<512xf32, #tpu.memory_space<vmem>>[vector<16xi32>], vector<16xf32>,
      tpu.vector_store_idx %arg5[%add3A_296], %scan3A_333#37 : memref<512xf32, #tpu.memory_space<vmem>>[vector<16xi32>], vector<16xf32>,
      tpu.vector_store_idx %arg5[%add3A_305], %scan3A_333#38 : memref<512xf32, #tpu.memory_space<vmem>>[vector<16xi32>], vector<16xf32>,
      tpu.vector_store_idx %arg5[%add3A_314], %scan3A_333#39 : memref<512xf32, #tpu.memory_space<vmem>>[vector<16xi32>], vector<16xf32>,
      %mul3A_400 = arith.constant 8 : i32
      %mul3A_401 = arith.muli %add3A_326, %mul3A_400 : i32
      "tpu.region"() ({
        %run_scoped3A = tpu.sem_alloc : memref<!tpu.dma_semaphore, #tpu.memory_space<semaphore_mem>>
        %dma_start3A = tpu.memref_slice %arg3[%mul3A_401] : memref<262144xf32, #tpu.memory_space<hbm>> -> memref<512xf32, #tpu.memory_space<hbm>>
        %dma_start3A_402 = tpu.memref_slice %arg3[%mul3A_401] : memref<262144xf32, #tpu.memory_space<hbm>> -> memref<512xf32, #tpu.memory_space<hbm>>
        tpu.enqueue_dma source(%arg5 : memref<512xf32, #tpu.memory_space<vmem>>) target(%dma_start3A_402 : memref<512xf32, #tpu.memory_space<hbm>>) target_semaphore(%run_scoped3A : memref<!tpu.dma_semaphore, #tpu.memory_space<semaphore_mem>>)
        %dma_wait3A = tpu.memref_slice %arg3[%mul3A_401] : memref<262144xf32, #tpu.memory_space<hbm>> -> memref<512xf32, #tpu.memory_space<hbm>>
        %dma_wait3A_403 = tpu.memref_slice %arg3[%mul3A_401] : memref<262144xf32, #tpu.memory_space<hbm>> -> memref<512xf32, #tpu.memory_space<hbm>>
        tpu.wait_dma2 semaphore(%run_scoped3A : memref<!tpu.dma_semaphore, #tpu.memory_space<semaphore_mem>>) src(%arg5 : memref<512xf32, #tpu.memory_space<vmem>>) dst(%dma_wait3A_403 : memref<512xf32, #tpu.memory_space<hbm>>)
        tpu.yield
      }) : () -> ()
    }
    %scan3A_322 = arith.constant 16 : i32
    return
  }
}

module attributes {stable_mosaic.version = 14 : i64} {
  func.func @_apply_body(%arg0: i32, %arg1: memref<64x16x256xf32, #tpu.memory_space<vmem>>, %arg2: memref<1024x8xf32, #tpu.memory_space<vmem>>, %arg3: memref<4x256x256xf32, #tpu.memory_space<vmem>>, %arg4: memref<1x256xf32, #tpu.memory_space<vmem>>, %arg5: memref<1x256xf32, #tpu.memory_space<vmem>>, %arg6: memref<1x256xf32, #tpu.memory_space<vmem>>, %arg7: memref<64x16x256xf32, #tpu.memory_space<vmem>>) attributes {dimension_semantics = [#tpu.dimension_semantics<arbitrary>], iteration_bounds = array<i64: 32>, scalar_prefetch = 0 : i64, scratch_operands = 0 : i64, tpu.core_type = #tpu.core_type<tc>, window_params = [{transform_indices = @transform_0, window_bounds = array<i64: 64, 16, 256>}, {transform_indices = @transform_1, window_bounds = array<i64: 1024, 8>}, {pipeline_mode = #tpu.pipeline_mode<synchronous>, transform_indices = @transform_2, window_bounds = array<i64: 4, 256, 256>}, {pipeline_mode = #tpu.pipeline_mode<synchronous>, transform_indices = @transform_3, window_bounds = array<i64: 1, 256>}, {pipeline_mode = #tpu.pipeline_mode<synchronous>, transform_indices = @transform_4, window_bounds = array<i64: 1, 256>}, {pipeline_mode = #tpu.pipeline_mode<synchronous>, transform_indices = @transform_5, window_bounds = array<i64: 1, 256>}, {transform_indices = @transform_6, window_bounds = array<i64: 64, 16, 256>}]} {
    %get3A = arith.constant 0 : index
    %get3A_0 = arith.constant 0 : index
    %get3A_1 = arith.constant 0 : index
    %get3A_2 = vector.load %arg1[%get3A, %get3A_0, %get3A_1] : memref<64x16x256xf32, #tpu.memory_space<vmem>>, vector<64x16x256xf32>
    %transpose3A = tpu.transpose %get3A_2, [1, 0, 2] : vector<64x16x256xf32> -> vector<16x64x256xf32>
    %get3A_3 = arith.constant 0 : index
    %get3A_4 = arith.constant 0 : index
    %get3A_5 = vector.load %arg2[%get3A_3, %get3A_4] : memref<1024x8xf32, #tpu.memory_space<vmem>>, vector<1024x8xf32>
    %slice3A = vector.extract_strided_slice %get3A_5 {offsets = [0, 0], sizes = [1024, 4], strides = [1, 1]} : vector<1024x8xf32> to vector<1024x4xf32>
    %reshape3A = vector.shape_cast %slice3A : vector<1024x4xf32> to vector<16x64x4xf32>
    %slice3A_6 = vector.extract_strided_slice %get3A_5 {offsets = [0, 4], sizes = [1024, 4], strides = [1, 1]} : vector<1024x8xf32> to vector<1024x4xf32>
    %reshape3A_7 = vector.shape_cast %slice3A_6 : vector<1024x4xf32> to vector<16x64x4xf32>
    %convert_element_type3A = arith.fptosi %reshape3A_7 : vector<16x64x4xf32> to vector<16x64x4xi32>
    %iota3A = tpu.iota {dimensions = array<i32: 2>} : vector<16x64x64xi32>
    %slice3A_8 = vector.extract_strided_slice %convert_element_type3A {offsets = [0, 0, 0], sizes = [16, 64, 1], strides = [1, 1, 1]} : vector<16x64x4xi32> to vector<16x64x1xi32>
    %eq3A = vector.broadcast %slice3A_8 : vector<16x64x1xi32> to vector<16x64x64xi32>
    %eq3A_9 = arith.cmpi eq, %iota3A, %eq3A : vector<16x64x64xi32>
    %convert_element_type3A_10 = arith.extui %eq3A_9 : vector<16x64x64xi1> to vector<16x64x64xi32>
    %convert_element_type3A_11 = arith.sitofp %convert_element_type3A_10 : vector<16x64x64xi32> to vector<16x64x64xf32>
    %slice3A_12 = vector.extract_strided_slice %reshape3A {offsets = [0, 0, 0], sizes = [16, 64, 1], strides = [1, 1, 1]} : vector<16x64x4xf32> to vector<16x64x1xf32>
    %mul3A = vector.broadcast %slice3A_12 : vector<16x64x1xf32> to vector<16x64x64xf32>
    %mul3A_13 = arith.mulf %convert_element_type3A_11, %mul3A : vector<16x64x64xf32>
    %slice3A_14 = vector.extract_strided_slice %convert_element_type3A {offsets = [0, 0, 1], sizes = [16, 64, 1], strides = [1, 1, 1]} : vector<16x64x4xi32> to vector<16x64x1xi32>
    %eq3A_15 = vector.broadcast %slice3A_14 : vector<16x64x1xi32> to vector<16x64x64xi32>
    %eq3A_16 = arith.cmpi eq, %iota3A, %eq3A_15 : vector<16x64x64xi32>
    %convert_element_type3A_17 = arith.extui %eq3A_16 : vector<16x64x64xi1> to vector<16x64x64xi32>
    %convert_element_type3A_18 = arith.sitofp %convert_element_type3A_17 : vector<16x64x64xi32> to vector<16x64x64xf32>
    %slice3A_19 = vector.extract_strided_slice %reshape3A {offsets = [0, 0, 1], sizes = [16, 64, 1], strides = [1, 1, 1]} : vector<16x64x4xf32> to vector<16x64x1xf32>
    %mul3A_20 = vector.broadcast %slice3A_19 : vector<16x64x1xf32> to vector<16x64x64xf32>
    %mul3A_21 = arith.mulf %convert_element_type3A_18, %mul3A_20 : vector<16x64x64xf32>
    %slice3A_22 = vector.extract_strided_slice %convert_element_type3A {offsets = [0, 0, 2], sizes = [16, 64, 1], strides = [1, 1, 1]} : vector<16x64x4xi32> to vector<16x64x1xi32>
    %eq3A_23 = vector.broadcast %slice3A_22 : vector<16x64x1xi32> to vector<16x64x64xi32>
    %eq3A_24 = arith.cmpi eq, %iota3A, %eq3A_23 : vector<16x64x64xi32>
    %convert_element_type3A_25 = arith.extui %eq3A_24 : vector<16x64x64xi1> to vector<16x64x64xi32>
    %convert_element_type3A_26 = arith.sitofp %convert_element_type3A_25 : vector<16x64x64xi32> to vector<16x64x64xf32>
    %slice3A_27 = vector.extract_strided_slice %reshape3A {offsets = [0, 0, 2], sizes = [16, 64, 1], strides = [1, 1, 1]} : vector<16x64x4xf32> to vector<16x64x1xf32>
    %mul3A_28 = vector.broadcast %slice3A_27 : vector<16x64x1xf32> to vector<16x64x64xf32>
    %mul3A_29 = arith.mulf %convert_element_type3A_26, %mul3A_28 : vector<16x64x64xf32>
    %slice3A_30 = vector.extract_strided_slice %convert_element_type3A {offsets = [0, 0, 3], sizes = [16, 64, 1], strides = [1, 1, 1]} : vector<16x64x4xi32> to vector<16x64x1xi32>
    %eq3A_31 = vector.broadcast %slice3A_30 : vector<16x64x1xi32> to vector<16x64x64xi32>
    %eq3A_32 = arith.cmpi eq, %iota3A, %eq3A_31 : vector<16x64x64xi32>
    %convert_element_type3A_33 = arith.extui %eq3A_32 : vector<16x64x64xi1> to vector<16x64x64xi32>
    %convert_element_type3A_34 = arith.sitofp %convert_element_type3A_33 : vector<16x64x64xi32> to vector<16x64x64xf32>
    %slice3A_35 = vector.extract_strided_slice %reshape3A {offsets = [0, 0, 3], sizes = [16, 64, 1], strides = [1, 1, 1]} : vector<16x64x4xf32> to vector<16x64x1xf32>
    %mul3A_36 = vector.broadcast %slice3A_35 : vector<16x64x1xf32> to vector<16x64x64xf32>
    %mul3A_37 = arith.mulf %convert_element_type3A_34, %mul3A_36 : vector<16x64x64xf32>
    %concatenate3A = tpu.concatenate %mul3A_13, %mul3A_21, %mul3A_29, %mul3A_37 in 2 : vector<16x64x64xf32>, vector<16x64x64xf32>, vector<16x64x64xf32>, vector<16x64x64xf32> -> vector<16x64x256xf32>
    %reshape3A_38 = vector.shape_cast %transpose3A : vector<16x64x256xf32> to vector<1024x256xf32>
    %get3A_39 = arith.constant 0 : index
    %get3A_40 = arith.constant 0 : index
    %get3A_41 = arith.constant 0 : index
    %get3A_42 = vector.load %arg3[%get3A_39, %get3A_40, %get3A_41] : memref<4x256x256xf32, #tpu.memory_space<vmem>>, vector<1x256x256xf32>
    %get3A_43 = vector.shape_cast %get3A_42 : vector<1x256x256xf32> to vector<256x256xf32>
    %dot_general3A = arith.constant dense<0.000000e+00> : vector<1024x256xf32>
    %dot_general3A_44 = tpu.matmul %reshape3A_38, %get3A_43, %dot_general3A {dimension_numbers = #tpu.dot_dimension_numbers<[1], [0], [0], [1], [0, 0, 1, 1], [], []>, transpose_lhs_hint = false} : vector<1024x256xf32>, vector<256x256xf32>, vector<1024x256xf32> -> vector<1024x256xf32>
    %reshape3A_45 = vector.shape_cast %dot_general3A_44 : vector<1024x256xf32> to vector<16x64x256xf32>
    %get3A_46 = arith.constant 1 : index
    %get3A_47 = arith.constant 0 : index
    %get3A_48 = arith.constant 0 : index
    %get3A_49 = vector.load %arg3[%get3A_46, %get3A_47, %get3A_48] : memref<4x256x256xf32, #tpu.memory_space<vmem>>, vector<1x256x256xf32>
    %get3A_50 = vector.shape_cast %get3A_49 : vector<1x256x256xf32> to vector<256x256xf32>
    %dot_general3A_51 = arith.constant dense<0.000000e+00> : vector<1024x256xf32>
    %dot_general3A_52 = tpu.matmul %reshape3A_38, %get3A_50, %dot_general3A_51 {dimension_numbers = #tpu.dot_dimension_numbers<[1], [0], [0], [1], [0, 0, 1, 1], [], []>, transpose_lhs_hint = false} : vector<1024x256xf32>, vector<256x256xf32>, vector<1024x256xf32> -> vector<1024x256xf32>
    %reshape3A_53 = vector.shape_cast %dot_general3A_52 : vector<1024x256xf32> to vector<16x64x256xf32>
    %get3A_54 = arith.constant 2 : index
    %get3A_55 = arith.constant 0 : index
    %get3A_56 = arith.constant 0 : index
    %get3A_57 = vector.load %arg3[%get3A_54, %get3A_55, %get3A_56] : memref<4x256x256xf32, #tpu.memory_space<vmem>>, vector<1x256x256xf32>
    %get3A_58 = vector.shape_cast %get3A_57 : vector<1x256x256xf32> to vector<256x256xf32>
    %dot_general3A_59 = arith.constant dense<0.000000e+00> : vector<1024x256xf32>
    %dot_general3A_60 = tpu.matmul %reshape3A_38, %get3A_58, %dot_general3A_59 {dimension_numbers = #tpu.dot_dimension_numbers<[1], [0], [0], [1], [0, 0, 1, 1], [], []>, transpose_lhs_hint = false} : vector<1024x256xf32>, vector<256x256xf32>, vector<1024x256xf32> -> vector<1024x256xf32>
    %reshape3A_61 = vector.shape_cast %dot_general3A_60 : vector<1024x256xf32> to vector<16x64x256xf32>
    %get3A_62 = arith.constant 3 : index
    %get3A_63 = arith.constant 0 : index
    %get3A_64 = arith.constant 0 : index
    %get3A_65 = vector.load %arg3[%get3A_62, %get3A_63, %get3A_64] : memref<4x256x256xf32, #tpu.memory_space<vmem>>, vector<1x256x256xf32>
    %get3A_66 = vector.shape_cast %get3A_65 : vector<1x256x256xf32> to vector<256x256xf32>
    %dot_general3A_67 = arith.constant dense<0.000000e+00> : vector<1024x256xf32>
    %dot_general3A_68 = tpu.matmul %reshape3A_38, %get3A_66, %dot_general3A_67 {dimension_numbers = #tpu.dot_dimension_numbers<[1], [0], [0], [1], [0, 0, 1, 1], [], []>, transpose_lhs_hint = false} : vector<1024x256xf32>, vector<256x256xf32>, vector<1024x256xf32> -> vector<1024x256xf32>
    %reshape3A_69 = vector.shape_cast %dot_general3A_68 : vector<1024x256xf32> to vector<16x64x256xf32>
    %concatenate3A_70 = tpu.concatenate %reshape3A_45, %reshape3A_53, %reshape3A_61, %reshape3A_69 in 1 : vector<16x64x256xf32>, vector<16x64x256xf32>, vector<16x64x256xf32>, vector<16x64x256xf32> -> vector<16x256x256xf32>
    %dot_general3A_71 = arith.constant dense<0.000000e+00> : vector<16x64x256xf32>
    %dot_general3A_72 = tpu.matmul %concatenate3A, %concatenate3A_70, %dot_general3A_71 {dimension_numbers = #tpu.dot_dimension_numbers<[2], [1], [1], [2], [0, 0, 0, 1, 1, 2], [0], [0]>, transpose_lhs_hint = false} : vector<16x64x256xf32>, vector<16x256x256xf32>, vector<16x64x256xf32> -> vector<16x64x256xf32>
    %get3A_73 = arith.constant 0 : index
    %get3A_74 = arith.constant 0 : index
    %get3A_75 = vector.load %arg4[%get3A_73, %get3A_74] : memref<1x256xf32, #tpu.memory_space<vmem>>, vector<1x256xf32>
    %broadcast_in_dim3A = vector.shape_cast %get3A_75 : vector<1x256xf32> to vector<1x1x256xf32>
    %add3A = vector.broadcast %broadcast_in_dim3A : vector<1x1x256xf32> to vector<16x64x256xf32>
    %add3A_76 = arith.addf %dot_general3A_72, %add3A : vector<16x64x256xf32>
    %reduce_sum3A = arith.constant dense<0.000000e+00> : vector<16x64xf32>
    %reduce_sum3A_77 = vector.multi_reduction <add>, %add3A_76, %reduce_sum3A [2] : vector<16x64x256xf32> to vector<16x64xf32>
    %broadcast_in_dim3A_78 = vector.shape_cast %reduce_sum3A_77 : vector<16x64xf32> to vector<16x64x1xf32>
    %div3A = arith.constant 2.560000e+02 : f32
    %div3A_79 = vector.broadcast %div3A : f32 to vector<16x64x1xf32>
    %div3A_80 = arith.divf %broadcast_in_dim3A_78, %div3A_79 : vector<16x64x1xf32>
    %sub3A = vector.broadcast %div3A_80 : vector<16x64x1xf32> to vector<16x64x256xf32>
    %sub3A_81 = arith.subf %add3A_76, %sub3A : vector<16x64x256xf32>
    %mul3A_82 = arith.mulf %sub3A_81, %sub3A_81 : vector<16x64x256xf32>
    %reduce_sum3A_83 = arith.constant dense<0.000000e+00> : vector<16x64xf32>
    %reduce_sum3A_84 = vector.multi_reduction <add>, %mul3A_82, %reduce_sum3A_83 [2] : vector<16x64x256xf32> to vector<16x64xf32>
    %broadcast_in_dim3A_85 = vector.shape_cast %reduce_sum3A_84 : vector<16x64xf32> to vector<16x64x1xf32>
    %div3A_86 = arith.constant 2.560000e+02 : f32
    %div3A_87 = vector.broadcast %div3A_86 : f32 to vector<16x64x1xf32>
    %div3A_88 = arith.divf %broadcast_in_dim3A_85, %div3A_87 : vector<16x64x1xf32>
    %add3A_89 = arith.constant 9.99999974E-6 : f32
    %add3A_90 = vector.broadcast %add3A_89 : f32 to vector<16x64x1xf32>
    %add3A_91 = arith.addf %div3A_88, %add3A_90 : vector<16x64x1xf32>
    %rsqrt3A = math.rsqrt %add3A_91 : vector<16x64x1xf32>
    %mul3A_92 = vector.broadcast %rsqrt3A : vector<16x64x1xf32> to vector<16x64x256xf32>
    %mul3A_93 = arith.mulf %sub3A_81, %mul3A_92 : vector<16x64x256xf32>
    %get3A_94 = arith.constant 0 : index
    %get3A_95 = arith.constant 0 : index
    %get3A_96 = vector.load %arg5[%get3A_94, %get3A_95] : memref<1x256xf32, #tpu.memory_space<vmem>>, vector<1x256xf32>
    %broadcast_in_dim3A_97 = vector.shape_cast %get3A_96 : vector<1x256xf32> to vector<1x1x256xf32>
    %mul3A_98 = vector.broadcast %broadcast_in_dim3A_97 : vector<1x1x256xf32> to vector<16x64x256xf32>
    %mul3A_99 = arith.mulf %mul3A_93, %mul3A_98 : vector<16x64x256xf32>
    %get3A_100 = arith.constant 0 : index
    %get3A_101 = arith.constant 0 : index
    %get3A_102 = vector.load %arg6[%get3A_100, %get3A_101] : memref<1x256xf32, #tpu.memory_space<vmem>>, vector<1x256xf32>
    %broadcast_in_dim3A_103 = vector.shape_cast %get3A_102 : vector<1x256xf32> to vector<1x1x256xf32>
    %add3A_104 = vector.broadcast %broadcast_in_dim3A_103 : vector<1x1x256xf32> to vector<16x64x256xf32>
    %add3A_105 = arith.addf %mul3A_99, %add3A_104 : vector<16x64x256xf32>
    %mul3A_106 = arith.constant 5.000000e-01 : f32
    %mul3A_107 = vector.broadcast %mul3A_106 : f32 to vector<16x64x256xf32>
    %mul3A_108 = arith.mulf %mul3A_107, %add3A_105 : vector<16x64x256xf32>
    %mul3A_109 = arith.constant 0.707106769 : f32
    %mul3A_110 = vector.broadcast %mul3A_109 : f32 to vector<16x64x256xf32>
    %mul3A_111 = arith.mulf %add3A_105, %mul3A_110 : vector<16x64x256xf32>
    %erf3A = math.erf %mul3A_111 : vector<16x64x256xf32>
    %add3A_112 = arith.constant 1.000000e+00 : f32
    %add3A_113 = vector.broadcast %add3A_112 : f32 to vector<16x64x256xf32>
    %add3A_114 = arith.addf %add3A_113, %erf3A : vector<16x64x256xf32>
    %mul3A_115 = arith.mulf %mul3A_108, %add3A_114 : vector<16x64x256xf32>
    %transpose3A_116 = tpu.transpose %mul3A_115, [1, 0, 2] : vector<16x64x256xf32> -> vector<64x16x256xf32>
    %swap3A = arith.constant 0 : index
    %swap3A_117 = arith.constant 0 : index
    %swap3A_118 = arith.constant 0 : index
    %swap3A_119 = vector.load %arg7[%swap3A, %swap3A_117, %swap3A_118] : memref<64x16x256xf32, #tpu.memory_space<vmem>>, vector<64x16x256xf32>
    tpu.vector_store %arg7[%swap3A, %swap3A_117, %swap3A_118], %transpose3A_116 {strides = array<i32>} : memref<64x16x256xf32, #tpu.memory_space<vmem>>, vector<64x16x256xf32>,
    return
  }
  func.func @transform_0(%arg0: i32) -> (i32, i32, i32) {
    %c0_i32 = arith.constant 0 : i32
    %c0_i32_0 = arith.constant 0 : i32
    %c0_i32_1 = arith.constant 0 : i32
    return %c0_i32, %arg0, %c0_i32_0 : i32, i32, i32
  }
  func.func @transform_1(%arg0: i32) -> (i32, i32) {
    %c0_i32 = arith.constant 0 : i32
    %c0_i32_0 = arith.constant 0 : i32
    return %arg0, %c0_i32 : i32, i32
  }
  func.func @transform_2(%arg0: i32) -> (i32, i32, i32) {
    %c0_i32 = arith.constant 0 : i32
    %c0_i32_0 = arith.constant 0 : i32
    %c0_i32_1 = arith.constant 0 : i32
    %c0_i32_2 = arith.constant 0 : i32
    return %c0_i32, %c0_i32_0, %c0_i32_1 : i32, i32, i32
  }
  func.func @transform_3(%arg0: i32) -> (i32, i32) {
    %c0_i32 = arith.constant 0 : i32
    %c0_i32_0 = arith.constant 0 : i32
    %c0_i32_1 = arith.constant 0 : i32
    return %c0_i32, %c0_i32_0 : i32, i32
  }
  func.func @transform_4(%arg0: i32) -> (i32, i32) {
    %c0_i32 = arith.constant 0 : i32
    %c0_i32_0 = arith.constant 0 : i32
    %c0_i32_1 = arith.constant 0 : i32
    return %c0_i32, %c0_i32_0 : i32, i32
  }
  func.func @transform_5(%arg0: i32) -> (i32, i32) {
    %c0_i32 = arith.constant 0 : i32
    %c0_i32_0 = arith.constant 0 : i32
    %c0_i32_1 = arith.constant 0 : i32
    return %c0_i32, %c0_i32_0 : i32, i32
  }
  func.func @transform_6(%arg0: i32) -> (i32, i32, i32) {
    %c0_i32 = arith.constant 0 : i32
    %c0_i32_0 = arith.constant 0 : i32
    %c0_i32_1 = arith.constant 0 : i32
    return %c0_i32, %arg0, %c0_i32_0 : i32, i32, i32
  }
}

module attributes {stable_mosaic.version = 14 : i64} {
  func.func @_sim_body(%arg0: i32, %arg1: memref<64x16x256xf32, #tpu.memory_space<vmem>>, %arg2: memref<16x64x64xf32, #tpu.memory_space<vmem>>) attributes {dimension_semantics = [#tpu.dimension_semantics<arbitrary>], iteration_bounds = array<i64: 32>, scalar_prefetch = 0 : i64, scratch_operands = 0 : i64, tpu.core_type = #tpu.core_type<tc>, window_params = [{transform_indices = @transform_0, window_bounds = array<i64: 64, 16, 256>}, {transform_indices = @transform_1, window_bounds = array<i64: 16, 64, 64>}]} {
    %get3A = arith.constant 0 : index
    %get3A_0 = arith.constant 0 : index
    %get3A_1 = arith.constant 0 : index
    %get3A_2 = vector.load %arg1[%get3A, %get3A_0, %get3A_1] : memref<64x16x256xf32, #tpu.memory_space<vmem>>, vector<64x16x256xf32>
    %transpose3A = tpu.transpose %get3A_2, [1, 0, 2] : vector<64x16x256xf32> -> vector<16x64x256xf32>
    %dot_general3A = arith.constant dense<0.000000e+00> : vector<16x64x64xf32>
    %dot_general3A_3 = tpu.matmul %transpose3A, %transpose3A, %dot_general3A {dimension_numbers = #tpu.dot_dimension_numbers<[2], [2], [1], [1], [0, 0, 0, 1, 1, 1], [0], [0]>, transpose_lhs_hint = false} : vector<16x64x256xf32>, vector<16x64x256xf32>, vector<16x64x64xf32> -> vector<16x64x64xf32>
    %swap3A = arith.constant 0 : index
    %swap3A_4 = arith.constant 0 : index
    %swap3A_5 = arith.constant 0 : index
    %swap3A_6 = vector.load %arg2[%swap3A, %swap3A_4, %swap3A_5] : memref<16x64x64xf32, #tpu.memory_space<vmem>>, vector<16x64x64xf32>
    tpu.vector_store %arg2[%swap3A, %swap3A_4, %swap3A_5], %dot_general3A_3 {strides = array<i32>} : memref<16x64x64xf32, #tpu.memory_space<vmem>>, vector<16x64x64xf32>,
    return
  }
  func.func @transform_0(%arg0: i32) -> (i32, i32, i32) {
    %c0_i32 = arith.constant 0 : i32
    %c0_i32_0 = arith.constant 0 : i32
    %c0_i32_1 = arith.constant 0 : i32
    return %c0_i32, %arg0, %c0_i32_0 : i32, i32, i32
  }
  func.func @transform_1(%arg0: i32) -> (i32, i32, i32) {
    %c0_i32 = arith.constant 0 : i32
    %c0_i32_0 = arith.constant 0 : i32
    %c0_i32_1 = arith.constant 0 : i32
    return %arg0, %c0_i32, %c0_i32_0 : i32, i32, i32
  }
}

</mosaic_0001>

<sc_bundles>
// kernel: kernel.5.cloned.1.call-start
scs
__scs_entry_jumppad:
0x0: {  	(pc) =	sbr.rel $0x88, $3  }
0x1: {  	(tag) =	ssettag $0x0;
	lr =	simm.s32 $0x1  }
0x2: {  	[smem:$0x3F9C] =	sst lr;
	_ =	strace $0xD0000000  }
0x3: {  	_ = 	snop  }
0x4: {  	_ = 	snop  }
0x5: {  	_ = 	snop  }
0x6: {  	_ = 	snop  }
0x7: {  	_ = 	snop  }
__scs_overlays_trampoline_lowered:
0x8: {  	[smem:$0x3FAB] =	sst s0  }
0x9: {  	[smem:$0x3FAC] =	sst s1  }
0xa: {  	[smem:$0x3FAD] =	sst s2  }
0xb: {  	[smem:$0x3FAE] =	sst s3  }
0xc: {  	[smem:$0x3FAF] =	sst s4  }
0xd: {  	[smem:$0x3FB0] =	sst s5  }
0xe: {  	[smem:$0x3FB1] =	sst s6  }
0xf: {  	[smem:$0x3FB2] =	sst s7  }
0x10: {  	[smem:$0x3FB3] =	sst s8  }
0x11: {  	[smem:$0x3FB4] =	sst s9;
	s0 =	simm.s32 @!p0 $0x0  }
0x12: {  	s1 =	sld [smem:$0x3F9A];
	s0 =	simm.s32 @p0 $0x1  }
0x13: {  	[smem:$0x3FB5] =	sst s0;
	s0 =	simm.s32 @!p1 $0x0  }
0x14: {  	s2 =	sld [smem:$0x3F99];
	s0 =	simm.s32 @p1 $0x1  }
0x15: {  	[smem:$0x3FB6] =	sst s0;
	s0 =	simm.s32 @!p2 $0x0  }
0x16: {  	s3 =	sld [smem:$0x3FDB];
	s0 =	simm.s32 @p2 $0x1  }
0x17: {  	s4 =	simm.s32 $0x1BF5;
	[smem:$0x3FB8] =	sst s0  }
0x18: {  	s0 =	sld [smem:$0x3F9B];
	_ =	swait.ge [sflag:s4], $0x0  }
0x19: {  	s7 =	sld [smem:$0x3F9C]  }
0x1a: {  	s8 =	sadd.s32 $0xFFFFE003, lr  }
0x1b: {  	s9 =	sadd.s32 $0xFFFFFEF7, lr;
	s5 =	simm.s32 $0xFFFFFFFF;
	p2 =	slt.u32 s8, $0xFFFFF086  }
0x1c: {  	p1 =	slt.u32 s9, $0xF7A;
	s5 =	simm.s32 @!p2 $0x0  }
0x1d: {  	s5 =	simm.s32 @p1 $0x1;
	p0 =	seq.s32 s7, s2  }
0x1e: {  	s7 =	smul.u32 @!p0 $0xF7A, s2;
	p2 =	seq.s32 @!p0 s5, $0x0  }
0x1f: {  	s9 =	smul.u32 $0xF7A, s1;
	s8 =	simm.s32 @!p0 $0x1BF5;
	p2 =	por !p2, p0  }
0x20: {  	[sflag:s8] =	ssyncset.s32 @!p0 $0xFFFFF086;
	s6 =	sadd.s32 @!p0 s3, s7;
	s7 =	simm.s32 @!p0 $0x108  }
0x21: {  	s3 =	sadd.s32 s3, s9;
	s6 =	sadd.s32 @!p0 $0x88, s6;
	s7 =	simm.s32 @p2 $0x1082  }
0x22: {  	[simem:s7], [sflag:s8] =	dma.local @!p0 [hbm:s6], $0xF7A  }
0x23: {  	s9 =	sor.u32 $0xD0000000, s2;
	s6 =	simm.s32 $0x108;
	_ =	swait.ge @!p0 [sflag:s8], $0x0  }
0x24: {  	s3 =	sadd.s32 $0x88, s3;
	s6 =	simm.s32 @!p1 $0x1082;
	[sflag:s4] =	ssyncset.s32 $0xFFFFF086  }
0x25: {  	[simem:s6], [sflag:s4] =	dma.local [hbm:s3], $0xF7A  }
0x26: {  	[smem:$0x3F9C] =	sst s1;
	(tag) =	ssettag s2;
	_ =	strace s9  }
0x27: {  	s1 =	sld [smem:$0x3FAC]  }
0x28: {  	s2 =	sld [smem:$0x3FAD]  }
0x29: {  	s4 =	sld [smem:$0x3FAF]  }
0x2a: {  	p0 =	seq.s32 s5, $0x0;
	s5 =	sld [smem:$0x3FB0]  }
0x2b: {  	s6 =	sld [smem:$0x3FB1]  }
0x2c: {  	s7 =	sld [smem:$0x3FB2]  }
0x2d: {  	s3 =	simm.s32 $0x108;
	s8 =	sld [smem:$0x3FB3]  }
0x2e: {  	s3 =	simm.s32 @!p0 $0x1082;
	s9 =	sld [smem:$0x3FB4]  }
0x2f: {  	lr =	sadd.s32 s0, s3;
	s0 =	sld [smem:$0x3FAB]  }
0x30: {  	s3 =	sld [smem:$0x3FAE]  }
0x31: {  	[smem:$0x3FB7] =	sst s10  }
0x32: {  	s10 =	sld [smem:$0x3FB5];
	_ =	sdelay $0x3  }
0x33: {  	p0 =	seq.s32 s10, $0x1;
	s10 =	sld [smem:$0x3FB7];
	_ =	sdelay $0x3  }
0x34: {  	[smem:$0x3FB7] =	sst s10  }
0x35: {  	s10 =	sld [smem:$0x3FB6];
	_ =	sdelay $0x3  }
0x36: {  	p1 =	seq.s32 s10, $0x1;
	s10 =	sld [smem:$0x3FB7];
	_ =	sdelay $0x3  }
0x37: {  	[smem:$0x3FB7] =	sst s10  }
0x38: {  	s10 =	sld [smem:$0x3FB8]  }
0x39: {  	_ = 	snop;
	(pc) =	sbr.ind lr, $3  }
0x3a: {  	_ = 	snop  }
0x3b: {  	_ = 	snop  }
0x3c: {  	p2 =	seq.s32 s10, $0x1;
	s10 =	sld [smem:$0x3FB7]  }
0x3d: {  	_ =	shalt  }
0x3e: {  	_ =	shalt  }
0x3f: {  	_ =	shalt  }
0x40: {  	_ =	shalt  }
0x41: {  	_ =	shalt  }
0x42: {  	_ =	shalt  }
0x43: {  	_ =	shalt  }
0x44: {  	_ =	shalt  }
0x45: {  	_ =	shalt  }
0x46: {  	_ =	shalt  }
0x47: {  	_ =	shalt  }
0x48: {  	_ =	shalt  }
0x49: {  	_ =	shalt  }
0x4a: {  	_ =	shalt  }
0x4b: {  	_ =	shalt  }
0x4c: {  	_ =	shalt  }
0x4d: {  	_ =	shalt  }
0x4e: {  	_ =	shalt  }
0x4f: {  	_ =	shalt  }
0x50: {  	_ =	shalt  }
0x51: {  	_ =	shalt  }
0x52: {  	_ =	shalt  }
0x53: {  	_ =	shalt  }
0x54: {  	_ =	shalt  }
0x55: {  	_ =	shalt  }
0x56: {  	_ =	shalt  }
0x57: {  	_ =	shalt  }
0x58: {  	_ =	shalt  }
0x59: {  	_ =	shalt  }
0x5a: {  	_ =	shalt  }
0x5b: {  	_ =	shalt  }
0x5c: {  	_ =	shalt  }
0x5d: {  	_ =	shalt  }
0x5e: {  	_ =	shalt  }
0x5f: {  	_ =	shalt  }
0x60: {  	_ =	shalt  }
0x61: {  	_ =	shalt  }
0x62: {  	_ =	shalt  }
0x63: {  	_ =	shalt  }
0x64: {  	_ =	shalt  }
0x65: {  	_ =	shalt  }
0x66: {  	_ =	shalt  }
0x67: {  	_ =	shalt  }
0x68: {  	_ =	shalt  }
0x69: {  	_ =	shalt  }
0x6a: {  	_ =	shalt  }
0x6b: {  	_ =	shalt  }
0x6c: {  	_ =	shalt  }
0x6d: {  	_ =	shalt  }
0x6e: {  	_ =	shalt  }
0x6f: {  	_ =	shalt  }
0x70: {  	_ =	shalt  }
0x71: {  	_ =	shalt  }
0x72: {  	_ =	shalt  }
0x73: {  	_ =	shalt  }
0x74: {  	_ =	shalt  }
0x75: {  	_ =	shalt  }
0x76: {  	_ =	shalt  }
0x77: {  	_ =	shalt  }
0x78: {  	_ =	shalt  }
0x79: {  	_ =	shalt  }
0x7a: {  	_ =	shalt  }
0x7b: {  	_ =	shalt  }
0x7c: {  	_ =	shalt  }
0x7d: {  	_ =	shalt  }
0x7e: {  	_ =	shalt  }
0x7f: {  	_ =	shalt  }
0x80: {  	_ =	shalt  }
0x81: {  	_ =	shalt  }
0x82: {  	_ =	shalt  }
0x83: {  	_ =	shalt  }
0x84: {  	_ =	shalt  }
0x85: {  	_ =	shalt  }
0x86: {  	_ =	shalt  }
0x87: {  	_ =	shalt  }
.Lfunc_end0:
.L_simem_size_0:
called_computation_lowered:
.L_overlay_start_0:
0x88: {  	s2 =	sld [smem:$0x3FD9]  }
0x89: {  	s3 =	sld [smem:$0x3FFE];
	_ =	sdelay $0x1  }
0x8a: {  	s1 =	srdreg.scid  }
0x8b: {  	s0 =	sand.u32 $0x1, s1  }
0x8c: {  	s17 =	sshll.u32 s0, $0xA;
	s2 =	sadd.s32 s3, s2  }
0x8d: {  	s2 =	sadd.s32 s2, s17  }
0x8e: {  	[smem:$0x3FC3] =	sst s2  }
0x8f: {  	_ = 	snop  }
0x90: {  	s2 =	sld [smem:$0x3FD0];
	(tm) =	ssettm $0x1  }
0x91: {  	s18 =	sld [smem:$0x3FFB];
	_ =	sdelay $0x3  }
0x92: {  	_ =	strace s18  }
0x93: {  	s3 =	sld [smem:$0x3FFC];
	_ =	sdelay $0x3  }
0x94: {  	_ =	strace s3  }
0x95: {  	s3 =	sld [smem:$0x3FFD];
	_ =	sdelay $0x3  }
0x96: {  	_ =	strace s3  }
0x97: {  	_ =	strace $0x8FFFFFFF  }
0x98: {  	s19 =	sld [smem:$0x3FDB];
	_ =	sdelay $0x1  }
0x99: {  	s4 =	simm.s32 $_scs_section_size  }
0x9a: {  	s5 =	simm.s32 $_size__tile_overlayer_lowered;
	s6 =	simm.s32 $_tile_overlayer_lowered  }
0x9b: {  	s22 =	simm.s32 $0x1BFF;
	s21 =	sshll.u32 s6, $0x1;
	s3 =	sadd.s32 s4, s19  }
0x9c: {  	s7 =	simm.s32 $0x0;
	s20 =	sshll.u32 s5, $0x1;
	s5 =	sadd.s32 s21, s3  }
0x9d: {  	[timem:s7], [sflag:s22] =	dma.local [hbm:s5], s20  }
0x9e: {  	_ =	swait.ge [sflag:s22], s20  }
0x9f: {  	s4 =	ssub.s32 $0x0, s20;
	[sflag:s22] =	ssyncset.done $0x0  }
0xa0: {  	[sflag:s22] =	ssyncadd.s32 s4;
	_ =	sdelay $0x1  }
0xa1: {  	s23 =	simm.s32 $0x1B8B  }
0xa2: {  	_ =	swait.ge [sflag:s23], $0x1  }
0xa3: {  	[sflag:s23] =	ssyncset.done $0x0  }
0xa4: {  	s25 =	simm.s32 $0x1B8E;
	s24 =	sld [smem:$0x3FFE];
	[sflag:s23] =	ssyncadd.s32 $0xFFFFFFFF  }
0xa5: {  	s26 =	simm.s32 $execute0_lowered;
	[smem:$0x3FD2] =	sst s25  }
0xa6: {  	s5 =	sshll.u32 s26, $0x1;
	_ =	strace $0x80000046;
	[dreg:$0x1] =	wrdreg $0xFFFFFFFF  }
0xa7: {  	s28 =	simm.s32 $_size_execute0_lowered;
	s3 =	sadd.s32 s3, s5;
	[dreg:$0x0] =	wrdreg $0x0  }
0xa8: {  	s5 =	sshll.u32 s28, $0x1;
	[dreg:$0x2] =	wrdreg s3  }
0xa9: {  	[dreg:$0x3] =	wrdreg s5  }
0xaa: {  	[dreg:$0x4] =	wrdreg $0xC0  }
0xab: {  	_ =	task [dreg:s7], $0x5FFFF  }
0xac: {  	[dreg:$0x1] =	wrdreg $0xFFFFFFFF  }
0xad: {  	[dreg:$0x0] =	wrdreg $0x60  }
0xae: {  	[dreg:$0x2] =	wrdreg s2  }
0xaf: {  	[dreg:$0x3] =	wrdreg s24  }
0xb0: {  	[dreg:$0x4] =	wrdreg $0x9  }
0xb1: {  	_ =	task.clear_ibuf [dreg:s7], $0x5FFFF;
	_ =	strace $0x90000046  }
0xb2: {  	s29 =	simm.s32 $0x9;
	_ =	strace $0x80000048  }
0xb3: {  	_ =	swait.ge [sflag:s29], $0x1  }
0xb4: {  	[sflag:s29] =	ssyncadd.s32 $0xFFFFFFFF  }
0xb5: {  	_ =	strace $0x90000048  }
0xb6: {  	_ =	sfence  }
0xb7: {  	s30 =	sld [smem:$0x0];
	_ =	sdelay $0x2  }
0xb8: {  	s31 =	sshll.u32 s1, $0xD;
	s1 =	sshrl.u32 s1, $0x2  }
0xb9: {  	s3 =	sand.u32 $0x4000, s31;
	s1 =	sadd.s32 s1, s30  }
0xba: {  	s0 =	sor.u32 s3, s0;
	s1 =	sshll.u32 s1, $0x11  }
0xbb: {  	s0 =	sor.u32 s1, s0  }
0xbc: {  	s0 =	sadd.s32 $0x8F2B, s0  }
0xbd: {  	[sflag:s0] =	ssyncadd.remote.s32 $0x1  }
0xbe: {  	_ =	sfence.sel $0xFFFF  }
0xbf: {  	[dreg:$0x0] =	wrdreg $0xFFFFFFFF;
	(pc) =	sbr.abs _section_cstart, $3  }
0xc0: {  	[dreg:$0x1] =	wrdreg $0xFFFFFFFF  }
0xc1: {  	_ =	task.clear_ibuf [dreg:s7], $0x2FFFF;
	_ =	strace $0x9FFFFFFF  }
0xc2: {  	(tm) =	ssettm $0x7FFFFFFF  }
0xc3: {  	_ =	shalt  }
tec
execute0_lowered:
.L_overlay_start_1:
0x0: {  	(tag) =	ssettag $0x1  }
0x1: {  	s1 =	rddreg [dreg:$0x0]  }
0x2: {  	s4 =	rddreg [dreg:$0x1]  }
0x3: {  	s3 =	srdreg.scid;
	s0 =	rddreg [dreg:$0x2];
	s2 =	simm.s32 $0x0;
	v0 =	vlaneseq.u32  }
0x4: {  	s8 =	simm.s32 $0x1000;
	s9 =	simm.s32 $0x0;
	s5 =	sand.u32 $0x1, s3;
	v0 =	vmul.u32 $0x40, v0  }
0x5: {  	[smem:$0x7FF] =	sst s2;
	s3 =	stileid.u32;
	s6 =	ssub.s32 $0x2, s5  }
0x6: {  	s4 =	sadd.s32 $0xC00, s4;
	_ =	strace $0x80000047;
	s7 =	sshrl.u32 s6, $0x1;
	v1 =	vor.u32 $0x400, v0;
	[tilespmem:$0x1FFD0] =	vst v0  }
0x7: {  	s31 =	sshll.u32 s3, $0xB;
	s5 =	sshll.u32 s5, $0xA;
	v2 =	vor.u32 $0xC00, v0;
	s6 =	ssub.s32 s6, s7;
	[tilespmem:$0x1FFE0] =	vst v1  }
0x8: {  	s5 =	sor.u32 s5, s31;
	v60 =	vor.u32 $0x800, v0;
	s7 =	simm.s32 $0x1;
	[tilespmem:$0x1FFF0] =	vst v2;
	s6 =	smax.u32 s6, $0x1  }
.LBB2_1:
0x9: {  	s10 =	simm.s32 $0x0  }
.LBB2_2:
0xa: {  	v41 =	vimm.f32 $-3.000000010e+38;
	v42 =	vimm.f32 $0.0e+00  }
0xb: {  	s11 =	sshll.u32 s10, $0x6;
	v57 =	vimm.f32 $-3.000000010e+38;
	v50 =	vimm.f32 $-3.000000010e+38;
	v46 =	vimm.f32 $-3.000000010e+38  }
0xc: {  	v47 =	vimm.f32 $-3.000000010e+38;
	v61 =	vimm.f32 $-3.000000010e+38;
	v20 =	vimm.f32 $0.0e+00;
	s11 =	sadd.s32 s5, s11  }
0xd: {  	s13 =	simm.s32 $0x0;
	v51 =	vimm.f32 $-3.000000010e+38;
	v32 =	vimm.f32 $0.0e+00;
	v39 =	vimm.f32 $-3.000000010e+38;
	s12 =	sshll.u32 s11, $0x3  }
0xe: {  	v33 =	vimm.f32 $-3.000000010e+38;
	v52 =	vimm.f32 $-3.000000010e+38;
	v5 =	vor.u32 s13, v2;
	s12 =	sadd.s32 s1, s12  }
0xf: {  	v38 =	vimm.f32 $-3.000000010e+38;
	v34 =	vimm.f32 $-3.000000010e+38;
	v6 =	vor.u32 s13, v60;
	[tilespmem:s13], [sflag:$0x1] =	stream.linear.gather [hbm4b:s12+s13], $0x1000, $0x38;
	[tilespmem:$0x1200] =	vst v63  }
0x10: {  	v23 =	vimm.f32 $0.0e+00;
	v11 =	vimm.f32 $0.0e+00;
	v7 =	vor.u32 s13, v0;
	_ =	swait.ge [sflag:s7], $0x1000  }
0x11: {  	v31 =	vimm.f32 $0.0e+00;
	v25 =	vimm.f32 $0.0e+00;
	v12 =	vimm.f32 $0.0e+00;
	[sflag:s7] =	ssyncset.done $0x0  }
0x12: {  	v21 =	vimm.f32 $0.0e+00;
	v55 =	vimm.f32 $0.0e+00;
	v56 =	vimm.f32 $0.0e+00;
	[sflag:s7] =	ssyncadd.s32 $0xFFFFF000  }
0x13: {  	v29 =	vimm.f32 $0.0e+00;
	v15 =	vimm.f32 $0.0e+00;
	v58 =	vimm.f32 $0.0e+00;
	v5 =	vld.idx.msk [tilespmem:v5+s2+$0x0], $0xffff  }
0x14: {  	v40 =	vimm.f32 $-3.000000010e+38;
	v48 =	vimm.f32 $-3.000000010e+38;
	v45 =	vor.u32 s13, v1;
	v27 =	vld.idx.msk [tilespmem:v6+s2+$0x0], $0xffff  }
0x15: {  	v59 =	vimm.f32 $0.0e+00;
	v35 =	vimm.f32 $-3.000000010e+38;
	v18 =	vimm.f32 $0.0e+00;
	v53 =	vld.idx.msk [tilespmem:v7+s2+$0x0], $0xffff  }
0x16: {  	v30 =	vimm.f32 $0.0e+00;
	v37 =	vimm.f32 $-3.000000010e+38;
	v62 =	vimm.f32 $0.0e+00;
	[tilespmem:$0x1FF70] =	vst v55  }
0x17: {  	v63 =	vimm.f32 $0.0e+00;
	v26 =	vimm.f32 $0.0e+00;
	v8 =	vmov s13;
	[tilespmem:$0x1FF80] =	vst v56  }
0x18: {  	v54 =	vimm.f32 $-3.000000010e+38;
	v8 =	vcvt.s32.f32 v8;
	[tilespmem:$0x1FF90] =	vst v58;
	v56 =	vimm.f32 $0.0e+00  }
0x19: {  	[tilespmem:$0x1FFA0] =	vst v59;
	v55 =	vimm.f32 $-3.000000010e+38;
	v59 =	vimm.f32 $-3.000000010e+38;
	v58 =	vld.idx.msk [tilespmem:v45+s2+$0x0], $0xffff;
	v45 =	vimm.f32 $-3.000000010e+38  }
0x1a: {  	vm0 =	vgt.f32 v5, v41;
	vm1 =	vgt.f32 v27, v41;
	vm2 =	vgt.f32 v53, v41  }
0x1b: {  	vm4 =	vgt.f32 v53, v41;
	v43 =	vsel vm0, v5, v41;
	v5 =	vsel vm0, v8, v42  }
0x1c: {  	v44 =	vsel vm0, v8, v42;
	v49 =	vsel vm1, v8, v42;
	vm3 =	vmmov vm1  }
0x1d: {  	v24 =	vsel vm0, v41, v43;
	v22 =	vsel vm0, v41, v43;
	v6 =	vsel vm0, v42, v44  }
0x1e: {  	[tilespmem:$0x1FFB0] =	vst v62;
	v28 =	vsel vm0, v41, v43;
	v36 =	vsel vm0, v41, v43;
	v16 =	vsel vm0, v42, v5  }
0x1f: {  	s12 =	simm.s32 $0x1;
	[tilespmem:$0x1FFC0] =	vst v63;
	v7 =	vsel vm0, v42, v44;
	v5 =	vsel vm0, v42, v44;
	vm0 =	vmmov vm1  }
.LBB2_3:
0x20: {  	vm5 =	vgt.f32 v53, v41  }
0x21: {  	vm9 =	vgt.f32 v53, v57;
	v50 =	vsel vm1, v27, v50;
	v1 =	vld [tilespmem:$0x1FFF0];
	vm7 =	vgt.f32 v53, v46  }
0x22: {  	v42 =	vsel vm2, v8, v42;
	v51 =	vsel vm2, v53, v51;
	vm10 =	vgt.f32 v27, v34;
	v13 =	vld [tilespmem:$0x1FF70]  }
0x23: {  	v11 =	vsel vm3, v8, v11;
	v12 =	vsel vm0, v8, v12;
	v14 =	vld [tilespmem:$0x1FF80];
	v40 =	vsel vm0, v27, v40  }
0x24: {  	v17 =	vld [tilespmem:$0x1FF90];
	vm15 =	vgt.f32 v27, v35;
	v46 =	vsel vm7, v53, v46;
	v31 =	vsel vm5, v8, v31  }
0x25: {  	v20 =	vsel vm7, v8, v20;
	v31 =	vsel vm4, v29, v31;
	vm6 =	vgt.f32 v58, v47  }
0x26: {  	vm7 =	vgt.f32 v58, v39;
	vm11 =	vgt.f32 v58, v52;
	vm12 =	vgt.f32 v58, v38  }
0x27: {  	v23 =	vsel vm11, v8, v23;
	v10 =	vsel vm6, v8, v25;
	v11 =	vsel vm1, v13, v11  }
0x28: {  	s13 =	smov.u32 s12;
	v21 =	vsel vm7, v8, v21;
	v12 =	vsel vm3, v14, v12;
	v14 =	vmovc v11;
	v23 =	vsel vm6, v25, v23  }
0x29: {  	v1 =	vor.u32 s13, v1;
	[tilespmem:$0x1FF80] =	vst v14;
	v14 =	vsel vm4, v8, v29;
	v29 =	vsel vm10, v8, v17;
	v17 =	vmovc v23  }
0x2a: {  	v25 =	vsel vm12, v8, v15;
	v21 =	vsel vm12, v15, v21;
	v15 =	vld [tilespmem:$0x1FFA0];
	[tilespmem:$0x1FFA0] =	vst v17;
	v17 =	vsel vm15, v18, v29  }
0x2b: {  	v63 =	vmov s13;
	v0 =	vor.u32 s13, v60;
	v41 =	vsel vm5, v53, v41;
	[tilespmem:$0x1FF90] =	vst v17;
	v17 =	vld [tilespmem:$0x1FFD0]  }
0x2c: {  	v4 =	vsel vm9, v8, v32;
	v40 =	vsel vm3, v33, v40;
	v63 =	vcvt.s32.f32 v63  }
0x2d: {  	v2 =	vmovc v6;
	v41 =	vsel vm4, v61, v41;
	v61 =	vsel vm4, v53, v61;
	v46 =	vsel vm9, v57, v46  }
0x2e: {  	[tilespmem:$0x1FF60] =	vst v2;
	v2 =	vsel vm9, v32, v20;
	v32 =	vsel vm3, v27, v33;
	v57 =	vsel vm9, v53, v57  }
0x2f: {  	v33 =	vsel vm1, v37, v32;
	v57 =	vsel vm5, v55, v57;
	v39 =	vsel vm7, v58, v39;
	v1 =	vld.idx.msk [tilespmem:v1+s2+$0x0], $0xffff  }
0x30: {  	v29 =	vsel vm2, v30, v14;
	v14 =	vsel vm15, v8, v18;
	v18 =	vor.u32 s13, v17;
	v17 =	vld [tilespmem:$0x1FFE0]  }
0x31: {  	v61 =	vsel vm2, v59, v61;
	v13 =	vmovc v49;
	v39 =	vsel vm12, v38, v39;
	v38 =	vsel vm12, v58, v38  }
0x32: {  	v9 =	vsel vm11, v58, v52;
	[tilespmem:$0x1FF70] =	vst v13;
	v13 =	vsel vm6, v58, v47;
	v38 =	vsel vm11, v52, v38  }
0x33: {  	v62 =	vmovc v24;
	vm4 =	vgt.f32 v58, v48;
	v52 =	vsel vm6, v47, v9;
	v15 =	vsel vm11, v15, v25;
	v25 =	vld [tilespmem:$0x1FFC0]  }
0x34: {  	v19 =	vmovc v22;
	v48 =	vsel vm4, v58, v48;
	v56 =	vsel vm4, v8, v56;
	vm7 =	vgt.f32 v1, v43  }
0x35: {  	v3 =	vmovc v43;
	v37 =	vmovc v50;
	vm13 =	vgt.f32 v1, v36;
	vm8 =	vgt.f32 v1, v22;
	v58 =	vor.u32 s13, v17;
	v17 =	vld [tilespmem:$0x1FFB0]  }
0x36: {  	v55 =	vmovc v41;
	vm1 =	vgt.f32 v1, v28;
	vm3 =	vgt.f32 v1, v24;
	v36 =	vsel vm13, v1, v36  }
0x37: {  	v8 =	vmovc v63;
	v16 =	vsel vm13, v63, v16;
	v63 =	vsel vm1, v1, v28;
	v9 =	vsel vm3, v1, v24  }
0x38: {  	v59 =	vmovc v51;
	v25 =	vsel vm4, v25, v10;
	v47 =	vsel vm8, v1, v22;
	v6 =	vsel vm1, v8, v6  }
0x39: {  	v43 =	vsel vm7, v1, v43;
	v24 =	vsel vm1, v28, v9;
	v9 =	vsel vm3, v8, v7;
	v53 =	vld.idx.msk [tilespmem:v18+s2+$0x0], $0xffff  }
0x3a: {  	v28 =	vsel vm7, v3, v63;
	v63 =	vld [tilespmem:$0x1FF60];
	v32 =	vsel vm5, v17, v4;
	v4 =	vsel vm10, v27, v34;
	v17 =	vmovc v31  }
0x3b: {  	v20 =	vmov v5;
	[tilespmem:$0x1FFB0] =	vst v17;
	v17 =	vsel vm8, v8, v5;
	v5 =	vsel vm15, v27, v35;
	v27 =	vld.idx.msk [tilespmem:v0+s2+$0x0], $0xffff  }
0x3c: {  	p0 =	sne.s32 s12, $0x3F;
	v30 =	vmovc v42;
	v22 =	vsel vm3, v62, v47;
	v6 =	vsel vm7, v44, v6;
	v47 =	vsel vm4, v54, v13  }
.Ltmp0:
0x3d: {  	v10 =	vmovc v56;
	v44 =	vsel vm7, v8, v44;
	v36 =	vsel vm8, v19, v36;
	v16 =	vsel vm8, v20, v16;
	(pc) =	sbr.rel @p0 .LBB2_3-.Ltmp0, $4  }
0x3e: {  	[tilespmem:$0x1FFC0] =	vst v10;
	v20 =	vmovc v2;
	v54 =	vmov v48;
	v18 =	vsel vm0, v26, v14;
	vm2 =	vgt.f32 v53, v51  }
0x3f: {  	v26 =	vmovc v12;
	vm4 =	vgt.f32 v53, v61;
	v34 =	vsel vm15, v35, v4;
	v35 =	vsel vm0, v45, v5  }
0x40: {  	v58 =	vld.idx.msk [tilespmem:v58+s2+$0x0], $0xffff;
	v5 =	vsel vm3, v7, v17;
	v7 =	vsel vm1, v63, v9;
	vm1 =	vgt.f32 v27, v50  }
0x41: {  	s12 =	sadd.s32 $0x1, s12;
	v45 =	vmovc v40;
	vm3 =	vgt.f32 v27, v33;
	vm0 =	vgt.f32 v27, v40;
	v49 =	vsel vm1, v8, v49  }
0x42: {  	vm10 =	vgt.f32 v53, v41  }
0x43: {  	v1 =	vsel vm4, v53, v61;
	v0 =	vsel vm10, v53, v41  }
0x44: {  	vm9 =	vgt.f32 v53, v57;
	v1 =	vsel vm2, v59, v1;
	v0 =	vsel vm4, v61, v0  }
0x45: {  	v2 =	vsel vm9, v53, v57;
	v0 =	vsub.f32 v0, v1  }
0x46: {  	vm13 =	vgt.f32 v53, v46;
	v2 =	vsel vm10, v55, v2  }
0x47: {  	v3 =	vsel vm13, v53, v46;
	v2 =	vsub.f32 v2, v1;
	v0 =	vmul.f32 $1.442695020e+00, v0  }
0x48: {  	v3 =	vsel vm9, v57, v3  }
0x49: {  	v1 =	vsub.f32 v3, v1;
	(erf) = vpow2.f32 v0;
	v0 =	vmul.f32 $1.442695020e+00, v2;
	_ =	sdelay $0x1  }
0x4a: {  	(erf) = vpow2.f32 v0;
	v0 =	vmul.f32 $1.442695020e+00, v1;
	_ =	sdelay $0x1  }
0x4b: {  	(erf) = vpow2.f32 v0;
	_ =	sdelay $0x4  }
0x4c: {  	vm8 =	vgt.f32 v58, v47;
	v0 =	vpop (erf)  }
0x4d: {  	vm6 =	vgt.f32 v58, v52;
	vm5 =	vgt.f32 v58, v38;
	v1 =	vadd.f32 $1.000000000e+00, v0  }
0x4e: {  	vm12 =	vgt.f32 v58, v48;
	v3 =	vsel vm8, v58, v47;
	v2 =	vsel vm6, v58, v52;
	v4 =	vpop (erf)  }
0x4f: {  	v3 =	vsel vm12, v54, v3;
	v2 =	vsel vm8, v47, v2;
	v1 =	vadd.f32 v4, v1  }
0x50: {  	v42 =	vsel vm5, v58, v38;
	v2 =	vsub.f32 v2, v3;
	v9 =	vpop (erf)  }
0x51: {  	v41 =	vmovc v5;
	vm14 =	vgt.f32 v58, v39;
	v5 =	vsel vm6, v52, v42;
	v1 =	vadd.f32 v9, v1  }
0x52: {  	v10 =	vsel vm14, v58, v39;
	v5 =	vsub.f32 v5, v3;
	v2 =	vmul.f32 $1.442695020e+00, v2  }
0x53: {  	v10 =	vsel vm5, v38, v10;
	(erf) = vrcp.f32 v1  }
0x54: {  	v1 =	vmul.f32 $1.442695020e+00, v5;
	(erf) = vpow2.f32 v2;
	v2 =	vsub.f32 v10, v3;
	_ =	sdelay $0x1  }
0x55: {  	(erf) = vpow2.f32 v1;
	v1 =	vmul.f32 $1.442695020e+00, v2;
	_ =	sdelay $0x1  }
0x56: {  	(erf) = vpow2.f32 v1;
	_ =	sdelay $0x3  }
0x57: {  	v1 =	vpop (erf)  }
0x58: {  	v2 =	vpop (erf)  }
0x59: {  	v3 =	vadd.f32 $1.000000000e+00, v2  }
0x5a: {  	v43 =	vsel vm3, v27, v33;
	v44 =	vsel vm0, v27, v40;
	vm7 =	vgt.f32 v27, v35;
	v13 =	vpop (erf)  }
0x5b: {  	v5 =	vsel vm1, v37, v43;
	v10 =	vsel vm3, v33, v44;
	v3 =	vadd.f32 v13, v3  }
0x5c: {  	v14 =	vsel vm7, v27, v35;
	v10 =	vsub.f32 v10, v5;
	v46 =	vpop (erf)  }
0x5d: {  	vm11 =	vgt.f32 v27, v34;
	v14 =	vsel vm0, v45, v14;
	v3 =	vadd.f32 v46, v3  }
0x5e: {  	v17 =	vsel vm11, v27, v34;
	v14 =	vsub.f32 v14, v5;
	v10 =	vmul.f32 $1.442695020e+00, v10  }
0x5f: {  	v17 =	vsel vm7, v35, v17;
	(erf) = vrcp.f32 v3  }
0x60: {  	v5 =	vsub.f32 v17, v5;
	v3 =	vmul.f32 $1.442695020e+00, v14;
	(erf) = vpow2.f32 v10;
	_ =	sdelay $0x1  }
0x61: {  	(erf) = vpow2.f32 v3;
	v3 =	vmul.f32 $1.442695020e+00, v5;
	_ =	sdelay $0x1  }
0x62: {  	(erf) = vpow2.f32 v3;
	_ =	sdelay $0x3  }
0x63: {  	v3 =	vpop (erf)  }
0x64: {  	v5 =	vpop (erf)  }
0x65: {  	v47 =	vadd.f32 $1.000000000e+00, v5  }
0x66: {  	v14 =	vpop (erf)  }
0x67: {  	v48 =	vlaneseq.u32;
	v10 =	vadd.f32 v14, v47  }
0x68: {  	v24 =	vsub.f32 v24, v28;
	v27 =	vmul.u32 $0x8, v48;
	v17 =	vpop (erf)  }
0x69: {  	v10 =	vadd.f32 v17, v10  }
0x6a: {  	v22 =	vsub.f32 v22, v28;
	v24 =	vmul.f32 $1.442695020e+00, v24;
	v49 =	vor.u32 $0x1, v27  }
0x6b: {  	v50 =	vor.u32 $0x2, v27;
	v52 =	vsub.f32 v36, v28;
	(erf) = vrcp.f32 v10  }
0x6c: {  	v51 =	vmul.f32 $1.442695020e+00, v22;
	v53 =	vor.u32 $0x3, v27;
	(erf) = vpow2.f32 v24  }
0x6d: {  	v54 =	vor.u32 $0x4, v27;
	v55 =	vmul.f32 $1.442695020e+00, v52;
	v0 =	vmul.f32 v1, v0  }
0x6e: {  	v19 =	vld [tilespmem:$0x1FFB0];
	v56 =	vor.u32 $0x5, v27;
	[tilespmem:v27+s8+$0x0] =	vst.idx.msk $0xffff, v1;
	v4 =	vmul.f32 v1, v4;
	(erf) = vpow2.f32 v51  }
0x6f: {  	[tilespmem:v49+s8+$0x0] =	vst.idx.msk $0xffff, v0;
	v0 =	vmul.f32 v1, v9;
	v1 =	vor.u32 $0x6, v27  }
0x70: {  	v57 =	vsel vm4, v8, v29;
	v58 =	vor.u32 $0x7, v27;
	[tilespmem:v50+s8+$0x0] =	vst.idx.msk $0xffff, v4;
	(erf) = vpow2.f32 v55  }
0x71: {  	v59 =	vsel vm10, v8, v31;
	v9 =	vsel vm2, v30, v57;
	[tilespmem:v53+s8+$0x0] =	vst.idx.msk $0xffff, v0;
	v0 =	vor.u32 $0x80, v27  }
0x72: {  	v61 =	vsel vm9, v8, v32;
	v62 =	vor.u32 $0x81, v27;
	[tilespmem:v54+s8+$0x0] =	vst.idx.msk $0xffff, v9;
	v10 =	vsel vm4, v29, v59  }
0x73: {  	v20 =	vsel vm13, v8, v20;
	v33 =	vor.u32 $0x82, v27;
	v24 =	vsel vm10, v19, v61;
	[tilespmem:v56+s8+$0x0] =	vst.idx.msk $0xffff, v10  }
0x74: {  	v20 =	vsel vm9, v32, v20;
	v45 =	vld [tilespmem:$0x1FFC0];
	[tilespmem:v1+s8+$0x0] =	vst.idx.msk $0xffff, v24;
	v1 =	vor.u32 $0x83, v27;
	v63 =	vpop (erf)  }
0x75: {  	v23 =	vsel vm6, v8, v23;
	v35 =	vor.u32 $0x84, v27;
	v2 =	vmul.f32 v3, v2;
	[tilespmem:v58+s8+$0x0] =	vst.idx.msk $0xffff, v20;
	v34 =	vpop (erf)  }
0x76: {  	v39 =	vor.u32 $0x85, v27;
	v49 =	vld [tilespmem:$0x1FFA0];
	[tilespmem:v0+s8+$0x0] =	vst.idx.msk $0xffff, v3;
	v0 =	vmul.f32 v3, v13;
	v36 =	vadd.f32 $1.000000000e+00, v34  }
0x77: {  	v42 =	vsel vm8, v8, v25;
	[tilespmem:v62+s8+$0x0] =	vst.idx.msk $0xffff, v2;
	v2 =	vmul.f32 v3, v46;
	v3 =	vor.u32 $0x86, v27;
	v38 =	vpop (erf)  }
0x78: {  	v37 =	vmov v16;
	[tilespmem:v33+s8+$0x0] =	vst.idx.msk $0xffff, v0;
	v0 =	vor.u32 $0x87, v27;
	v40 =	vadd.f32 v38, v36  }
0x79: {  	v16 =	vsel vm12, v45, v42;
	v47 =	vsel vm5, v8, v15;
	[tilespmem:v1+s8+$0x0] =	vst.idx.msk $0xffff, v2;
	v1 =	vor.u32 $0x100, v27;
	v44 =	vpop (erf)  }
0x7a: {  	v48 =	vor.u32 $0x101, v27;
	v46 =	vsel vm8, v25, v23;
	[tilespmem:v35+s8+$0x0] =	vst.idx.msk $0xffff, v16;
	v2 =	vadd.f32 v44, v40  }
0x7b: {  	v43 =	vsel vm14, v8, v21;
	v50 =	vor.u32 $0x102, v27;
	v16 =	vsel vm6, v49, v47;
	[tilespmem:v39+s8+$0x0] =	vst.idx.msk $0xffff, v46  }
0x7c: {  	[tilespmem:v3+s8+$0x0] =	vst.idx.msk $0xffff, v16;
	v3 =	vor.u32 $0x103, v27;
	(erf) = vrcp.f32 v2;
	v2 =	vsel vm5, v15, v43  }
0x7d: {  	[tilespmem:v0+s8+$0x0] =	vst.idx.msk $0xffff, v2;
	v0 =	vmul.f32 v63, v5  }
0x7e: {  	[tilespmem:v1+s8+$0x0] =	vst.idx.msk $0xffff, v63;
	v1 =	vmul.f32 v63, v14  }
0x7f: {  	[tilespmem:v48+s8+$0x0] =	vst.idx.msk $0xffff, v0;
	v0 =	vmul.f32 v63, v17  }
0x80: {  	v54 =	vld [tilespmem:$0x1FF70];
	[tilespmem:v50+s8+$0x0] =	vst.idx.msk $0xffff, v1  }
0x81: {  	v2 =	vor.u32 $0x104, v27;
	[tilespmem:v3+s8+$0x0] =	vst.idx.msk $0xffff, v0;
	v3 =	vld [tilespmem:$0x1FF80]  }
0x82: {  	v56 =	vld [tilespmem:$0x1FF90];
	v51 =	vor.u32 $0x105, v27  }
0x83: {  	v52 =	vor.u32 $0x106, v27  }
0x84: {  	v11 =	vsel vm3, v8, v11;
	v1 =	vor.u32 $0x107, v27  }
0x85: {  	v53 =	vsel vm0, v8, v12;
	v11 =	vsel vm1, v54, v11;
	v0 =	vor.u32 $0x180, v27  }
0x86: {  	v55 =	vsel vm7, v8, v18;
	[tilespmem:v2+s8+$0x0] =	vst.idx.msk $0xffff, v11;
	v2 =	vor.u32 $0x181, v27;
	v3 =	vsel vm3, v3, v53  }
0x87: {  	v9 =	vsel vm0, v26, v55;
	v57 =	vsel vm11, v8, v56;
	[tilespmem:v51+s8+$0x0] =	vst.idx.msk $0xffff, v3;
	v3 =	vor.u32 $0x182, v27  }
0x88: {  	v61 =	vor.u32 $0x183, v27;
	v58 =	vsel vm7, v18, v57;
	v59 =	vpop (erf);
	[tilespmem:v52+s8+$0x0] =	vst.idx.msk $0xffff, v9  }
0x89: {  	v62 =	vor.u32 $0x184, v27;
	[tilespmem:v1+s8+$0x0] =	vst.idx.msk $0xffff, v58;
	v1 =	vmul.f32 v59, v34  }
0x8a: {  	v63 =	vor.u32 $0x185, v27;
	[tilespmem:v0+s8+$0x0] =	vst.idx.msk $0xffff, v59;
	v0 =	vmul.f32 v59, v38  }
0x8b: {  	[tilespmem:v2+s8+$0x0] =	vst.idx.msk $0xffff, v1;
	v1 =	vmul.f32 v59, v44;
	v2 =	vor.u32 $0x186, v27  }
0x8c: {  	[tilespmem:v3+s8+$0x0] =	vst.idx.msk $0xffff, v0;
	v0 =	vor.u32 $0x187, v27  }
0x8d: {  	[tilespmem:v61+s8+$0x0] =	vst.idx.msk $0xffff, v1  }
0x8e: {  	[tilespmem:v62+s8+$0x0] =	vst.idx.msk $0xffff, v6  }
0x8f: {  	[tilespmem:v63+s8+$0x0] =	vst.idx.msk $0xffff, v7  }
0x90: {  	s10 =	sadd.s32 $0x1, s10;
	[tilespmem:v2+s8+$0x0] =	vst.idx.msk $0xffff, v41  }
0x91: {  	s11 =	sadd.s32 s4, s11;
	p0 =	sne.s32 s10, $0x10;
	[tilespmem:v0+s8+$0x0] =	vst.idx.msk $0xffff, v37  }
0x92: {  	[hbm4b:s11+s2] =	stream.linear.scatter [tilespmem:s8], [sflag:$0x1], $0x200, $0x38;
	[tilespmem:$0x1200] =	vst v63  }
.Ltmp1:
0x93: {  	_ = 	snop;
	(pc) =	sbr.rel @p0 .LBB2_2-.Ltmp1, $4  }
0x94: {  	_ =	swait.ge [sflag:s7], $0x200  }
0x95: {  	v0 =	vld [tilespmem:$0x1FFD0]  }
0x96: {  	[sflag:s7] =	ssyncset.done $0x0;
	v1 =	vld [tilespmem:$0x1FFE0]  }
0x97: {  	v2 =	vld [tilespmem:$0x1FFF0];
	[sflag:s7] =	ssyncadd.s32 $0xFFFFFE00  }
0x98: {  	s9 =	sadd.s32 $0x1, s9  }
0x99: {  	p0 =	sne.s32 s9, s6  }
.Ltmp2:
0x9a: {  	_ = 	snop;
	(pc) =	sbr.rel @p0 .LBB2_1-.Ltmp2, $1  }
0x9b: {  	_ =	sdelay $0x3  }
0x9c: {  	_ =	sfence.sel $0x180000  }
0x9d: {  	[bflag:$0x0] =	sbarrier.arrive $0xFFFF  }
0x9e: {  	p0 =	sne.s32 s3, $0x0;
	_ =	strace $0x90000047  }
0x9f: {  	s0 =	sadd.s32 @!p0 $0x100000, s0;
	[bflag:$0x2] =	sbarrier.arrive $0xFFFF  }
0xa0: {  	[sflag:s0] =	ssyncadd.tile.s32 @!p0 $0x1;
	_ =	shalt  }
.Lfunc_end2:
_tile_overlayer_lowered:
.L_overlay_start_2:
0xa1: {  	(tag) =	ssettag $0x2  }
0xa2: {  	s0 =	rddreg [dreg:$0x0];
	s2 =	stileid.u32  }
0xa3: {  	s1 =	rddreg [dreg:$0x1];
	p0 =	sne.s32 s2, $0x0  }
0xa4: {  	s3 =	rddreg [dreg:$0x2];
	[bflag:$0x3] =	sbarrier.arrive $0xFFFF;
	s2 =	simm.s32 @!p0 $0x1C01  }
0xa5: {  	[timem:s3], [sflag:s2] =	dma.local @!p0 [hbm:s0], s1  }
0xa6: {  	s0 =	simm.s32 @!p0 $0x1  }
0xa7: {  	_ =	swait.ge @!p0 [sflag:s0], s1  }
0xa8: {  	s1 =	ssub.s32 @!p0 $0x0, s1;
	[sflag:s0] =	ssyncset.done @!p0 $0x0  }
0xa9: {  	[sflag:s0] =	ssyncadd.s32 @!p0 s1  }
0xaa: {  	[bflag:$0x3] =	sbarrier.arrive $0xFFFF  }
0xab: {  	_ =	shalt  }

</sc_bundles>
